<compile_context>
chip_gen: v7x
topology: tpu7x:2x2x1
jax: 0.10.2.dev20260603
libtpu: 0.0.44.dev20260713+nightly
codegen_flags: <defaults>
</compile_context>

<pallas_src>
import functools

import jax
import jax.numpy as jnp
from jax import lax
from jax.experimental import pallas as pl
from jax.experimental.pallas import tpu as pltpu
from jax.experimental.pallas import tpu_sc as plsc

N = 16384
D = 128
SQ = 128
NC = 2
NS = 16
NW = NC * NS
ROWS_PER_W = N // NW
CHUNK = 128
NCHUNK = ROWS_PER_W // CHUNK


def _shift_lane(m, k, fill):
    r, c = m.shape
    return jnp.concatenate(
        [jnp.full((r, k), fill, m.dtype), m[:, : c - k]], axis=1)


def _shift_sub(m, k, fill):
    r, c = m.shape
    return jnp.concatenate(
        [jnp.full((k, c), fill, m.dtype), m[: r - k, :]], axis=0)


def _scan_math(t):
    pos = (lax.broadcasted_iota(jnp.int32, (SQ, SQ), 0) * SQ
           + lax.broadcasted_iota(jnp.int32, (SQ, SQ), 1))
    m0 = jnp.where(t == 0, pos, -1)
    m1 = jnp.where(t != 0, pos, -1)
    k = 1
    while k < SQ:
        m0 = jnp.maximum(m0, _shift_lane(m0, k, -1))
        m1 = jnp.maximum(m1, _shift_lane(m1, k, -1))
        k *= 2
    e0 = _shift_sub(m0[:, SQ - 1 : SQ], 1, -1)
    e1 = _shift_sub(m1[:, SQ - 1 : SQ], 1, -1)
    k = 1
    while k < SQ:
        e0 = jnp.maximum(e0, _shift_sub(e0, k, -1))
        e1 = jnp.maximum(e1, _shift_sub(e1, k, -1))
        k *= 2
    prev0 = jnp.maximum(_shift_lane(m0, 1, -1), e0)
    prev1 = jnp.maximum(_shift_lane(m1, 1, -1), e1)
    prev = jnp.where(t == 0, prev0, prev1)
    valid = prev >= 0
    count1 = jnp.sum(t)
    count0 = SQ * SQ - count1
    inv0 = 127.0 / jnp.maximum(count0, 1).astype(jnp.float32)
    inv1 = 127.0 / jnp.maximum(count1, 1).astype(jnp.float32)
    w = jnp.where(valid, jnp.where(t == 0, inv0, -inv1), 0.0)
    return jnp.maximum(prev, 0), w.astype(jnp.float32)


G_BLK = 16


def _scan_norm_body(t_ref, x_ref, prev_ref, u_ref, v_ref, w_scr):
    step = pl.program_id(0)

    @pl.when(step == 0)
    def _scan():
        prev, w = _scan_math(t_ref[...])
        prev_ref[...] = prev
        w_scr[...] = w

    @pl.when(step > 0)
    def _norm():
        x = x_ref[...]
        g0 = (step - 1) * G_BLK
        w = w_scr[pl.ds(g0, G_BLK), :]
        c = x - jnp.mean(x, axis=2, keepdims=True)
        q = jnp.sum(c * c, axis=2, keepdims=True)
        u = c * lax.rsqrt(q)
        u_ref[...] = u
        v_ref[...] = u * w[:, :, None]


def _final_body(p_ref, o_ref):
    s = jnp.sum(p_ref[...])
    o_ref[...] = jnp.broadcast_to(s * s, (1, 1))


def _pair_body(u_hbm, v_hbm, idx_hbm, out_hbm,
               idx_v, g0, g1, l0, l1, acc_v, sg0, sg1, sl0, sl1):
    wid = lax.axis_index("s") * NC + lax.axis_index("c")
    base = wid * ROWS_PER_W
    pltpu.sync_copy(idx_hbm.at[pl.ds(wid * NCHUNK, NCHUNK)], idx_v)

    gb = (g0, g1)
    lb = (l0, l1)
    sg = (sg0, sg1)
    sl = (sl0, sl1)

    def start(ci):
        s = ci % 2
        cg = pltpu.async_copy(
            u_hbm.at[idx_v.at[ci]], gb[s], sg[s])
        cl = pltpu.async_copy(
            v_hbm.at[pl.ds(base + ci * CHUNK, CHUNK)], lb[s], sl[s])
        return cg, cl

    acc = jnp.zeros((16,), jnp.float32)
    pend = start(0)
    for ci in range(NCHUNK):
        s = ci % 2
        cur = pend
        if ci + 1 < NCHUNK:
            pend = start(ci + 1)
        cur[0].wait()
        cur[1].wait()
        gv, lv = gb[s], lb[s]

        def body(r, a, gv=gv, lv=lv):
            for k in range(D // 16):
                a = a + (gv[r, pl.ds(k * 16, 16)]
                         * lv[r, pl.ds(k * 16, 16)])
            return a

        acc = lax.fori_loop(0, CHUNK, body, acc)
    acc_v[...] = acc
    pltpu.sync_copy(acc_v, out_hbm.at[wid])


@functools.cache
def _make_pair_call():
    mesh = plsc.VectorSubcoreMesh(core_axis_name="c", subcore_axis_name="s")
    return functools.partial(
        pl.kernel,
        mesh=mesh,
        out_type=jax.ShapeDtypeStruct((NW, 16), jnp.float32),
        scratch_types=[
            pltpu.VMEM((NCHUNK, CHUNK), jnp.int32),
            pltpu.VMEM((CHUNK, D), jnp.float32),
            pltpu.VMEM((CHUNK, D), jnp.float32),
            pltpu.VMEM((CHUNK, D), jnp.float32),
            pltpu.VMEM((CHUNK, D), jnp.float32),
            pltpu.VMEM((16,), jnp.float32),
            pltpu.SemaphoreType.DMA,
            pltpu.SemaphoreType.DMA,
            pltpu.SemaphoreType.DMA,
            pltpu.SemaphoreType.DMA,
        ],
    )(_pair_body)


@jax.jit
def kernel(input, target):
    n, d = input.shape
    t2 = target.reshape(SQ, SQ).astype(jnp.int32)
    x3 = input.reshape(SQ, SQ, d)
    prev, u3, v3 = pl.pallas_call(
        _scan_norm_body,
        grid=(SQ // G_BLK + 1,),
        in_specs=[
            pl.BlockSpec((SQ, SQ), lambda i: (0, 0)),
            pl.BlockSpec((G_BLK, SQ, d),
                         lambda i: (jnp.maximum(i - 1, 0), 0, 0)),
        ],
        out_specs=[
            pl.BlockSpec((SQ, SQ), lambda i: (0, 0)),
            pl.BlockSpec((G_BLK, SQ, d),
                         lambda i: (jnp.maximum(i - 1, 0), 0, 0)),
            pl.BlockSpec((G_BLK, SQ, d),
                         lambda i: (jnp.maximum(i - 1, 0), 0, 0)),
        ],
        out_shape=(
            jax.ShapeDtypeStruct((SQ, SQ), jnp.int32),
            jax.ShapeDtypeStruct((SQ, SQ, d), jnp.float32),
            jax.ShapeDtypeStruct((SQ, SQ, d), jnp.float32),
        ),
        scratch_shapes=[pltpu.VMEM((SQ, SQ), jnp.float32)],
    )(t2, x3)

    partials = _make_pair_call()(
        u3.reshape(n, d), v3.reshape(n, d), prev)

    out = pl.pallas_call(
        _final_body,
        out_shape=jax.ShapeDtypeStruct((1, 1), jnp.float32),
    )(partials)
    return out.reshape(())

# --- scband reference (transcript-rebuilt; emitter-appended) ---
"""Pipeline reference for scband-intraclass-loss-41257455845383 (READ-ONLY COPY).

The authoritative reference and input builder live on the scoring server;
editing this copy changes nothing except your own understanding.
"""

import jax, jax.numpy as jnp
import numpy as np


def _class_corr(x, idx, count):
    # correlation coefficient between consecutive rows (in index order) of one class
    rows = jnp.take(x, idx, axis=0)
    t1 = rows[:-1]
    t2 = rows[1:]
    cov = jnp.sum((t1 - jnp.mean(t1, axis=1, keepdims=True)) * (t2 - jnp.mean(t2, axis=1, keepdims=True)), axis=1)
    # torch.std is unbiased (ddof=1)
    s1 = jnp.std(t1, axis=1, ddof=1)
    s2 = jnp.std(t2, axis=1, ddof=1)
    corr = cov / (s1 * s2)
    valid = jnp.arange(idx.shape[0] - 1) < (count - 1)
    return jnp.where(valid, corr, jnp.zeros((), dtype=x.dtype))


def setup_inputs(seed: int = 0) -> dict:
    key = jax.random.key(seed)
    k1, k2 = jax.random.split(key)
    inp = jax.random.normal(k1, (16384, 128), dtype=jnp.float32)
    target = jax.random.randint(k2, (16384,), 0, 2, dtype=jnp.int32)
    return {"input": inp, "target": target}


def reference(input, target):
    n = target.shape[0]
    idx0 = jnp.where(target == 0, size=n, fill_value=0)[0]
    idx1 = jnp.where(target == 1, size=n, fill_value=0)[0]
    count0 = jnp.sum(target == 0).astype(jnp.int32)
    count1 = jnp.sum(target == 1).astype(jnp.int32)
    c0 = _class_corr(input, idx0, count0)
    c1 = _class_corr(input, idx1, count1)
    p0 = jnp.where(
        count0 >= 2,
        jnp.sum(c0) / jnp.maximum(count0, 1).astype(input.dtype),
        jnp.float32(0.0),
    )
    p1 = jnp.where(
        count1 >= 2,
        jnp.sum(c1) / jnp.maximum(count1, 1).astype(input.dtype),
        jnp.float32(0.0),
    )
    # torch.norm(scalar, p=2) ** 2 == (p0 - p1) ** 2 ; .mean() of scalar is identity
    loss_intra = jnp.abs(p0 - p1) ** 2
    return loss_intra

if __name__ == "__main__":
    import jax
    _d = setup_inputs()
    print(jax.jit(kernel)(*tuple(_d.values())))

</pallas_src>

<mosaic_0001>
#map = affine_map<(d0, d1) -> (0, 0)>
module attributes {stable_mosaic.version = 14 : i64} {
  func.func @_pair_body(%arg0: i32, %arg1: i32, %arg2: memref<16384x128xf32, #tpu.memory_space<hbm>>, %arg3: memref<16384x128xf32, #tpu.memory_space<hbm>>, %arg4: memref<128x128xi32, #tpu.memory_space<hbm>>, %arg5: memref<32x16xf32, #tpu.memory_space<hbm>>, %arg6: memref<4x128xi32, #tpu.memory_space<vmem>>, %arg7: memref<128x128xf32, #tpu.memory_space<vmem>>, %arg8: memref<128x128xf32, #tpu.memory_space<vmem>>, %arg9: memref<128x128xf32, #tpu.memory_space<vmem>>, %arg10: memref<128x128xf32, #tpu.memory_space<vmem>>, %arg11: memref<16xf32, #tpu.memory_space<vmem>>, %arg12: memref<!tpu.dma_semaphore, #tpu.memory_space<semaphore_mem>>, %arg13: memref<!tpu.dma_semaphore, #tpu.memory_space<semaphore_mem>>, %arg14: memref<!tpu.dma_semaphore, #tpu.memory_space<semaphore_mem>>, %arg15: memref<!tpu.dma_semaphore, #tpu.memory_space<semaphore_mem>>) attributes {dimension_semantics = [#tpu.dimension_semantics<core_parallel>, #tpu.dimension_semantics<subcore_parallel>], iteration_bounds = array<i64: 2, 16>, scalar_prefetch = 0 : i64, scratch_operands = 10 : i64, tpu.core_type = #tpu.core_type<sc_vector_subcore>, window_params = [{transform_indices = #map}, {transform_indices = #map}, {transform_indices = #map}, {transform_indices = #map}]} {
    %mul3A = arith.constant 2 : i32
    %mul3A_0 = arith.muli %arg1, %mul3A : i32
    %add3A = arith.addi %mul3A_0, %arg0 : i32
    %mul3A_1 = arith.constant 512 : i32
    %mul3A_2 = arith.muli %add3A, %mul3A_1 : i32
    %mul3A_3 = arith.constant 4 : i32
    %mul3A_4 = arith.muli %add3A, %mul3A_3 : i32
    "tpu.region"() ({
      %run_scoped3A = tpu.sem_alloc : memref<!tpu.dma_semaphore, #tpu.memory_space<semaphore_mem>>
      %dma_start3A_126 = arith.constant 0 : i32
      %dma_start3A_127 = tpu.memref_slice %arg4[%mul3A_4, %dma_start3A_126] : memref<128x128xi32, #tpu.memory_space<hbm>> -> memref<4x128xi32, #tpu.memory_space<hbm>>
      %dma_start3A_128 = arith.constant 0 : i32
      %dma_start3A_129 = tpu.memref_slice %arg4[%mul3A_4, %dma_start3A_128] : memref<128x128xi32, #tpu.memory_space<hbm>> -> memref<4x128xi32, #tpu.memory_space<hbm>>
      tpu.enqueue_dma source(%dma_start3A_129 : memref<4x128xi32, #tpu.memory_space<hbm>>) target(%arg6 : memref<4x128xi32, #tpu.memory_space<vmem>>) target_semaphore(%run_scoped3A : memref<!tpu.dma_semaphore, #tpu.memory_space<semaphore_mem>>)
      %dma_wait3A_130 = arith.constant 0 : i32
      %dma_wait3A_131 = tpu.memref_slice %arg4[%mul3A_4, %dma_wait3A_130] : memref<128x128xi32, #tpu.memory_space<hbm>> -> memref<4x128xi32, #tpu.memory_space<hbm>>
      %dma_wait3A_132 = arith.constant 0 : i32
      %dma_wait3A_133 = tpu.memref_slice %arg4[%mul3A_4, %dma_wait3A_132] : memref<128x128xi32, #tpu.memory_space<hbm>> -> memref<4x128xi32, #tpu.memory_space<hbm>>
      tpu.wait_dma2 semaphore(%run_scoped3A : memref<!tpu.dma_semaphore, #tpu.memory_space<semaphore_mem>>) src(%dma_wait3A_133 : memref<4x128xi32, #tpu.memory_space<hbm>>) dst(%arg6 : memref<4x128xi32, #tpu.memory_space<vmem>>)
      tpu.yield
    }) : () -> ()
    %broadcast_in_dim3A = arith.constant 0.000000e+00 : f32
    %broadcast_in_dim3A_5 = vector.broadcast %broadcast_in_dim3A : f32 to vector<16xf32>
    %dma_start3A = arith.constant 0 : i32
    %dma_start3A_6 = arith.constant 0 : i32
    %dma_start3A_7 = tpu.memref_slice %arg6[%dma_start3A, %dma_start3A_6] : memref<4x128xi32, #tpu.memory_space<vmem>> -> memref<1x128xi32, #tpu.memory_space<vmem>>
    %dma_start3A_8 = tpu.memref_squeeze %dma_start3A_7 : memref<1x128xi32, #tpu.memory_space<vmem>> -> memref<128xi32, #tpu.memory_space<vmem>>
    %dma_start3A_9 = arith.constant 0 : i32
    %dma_start3A_10 = arith.constant 0 : i32
    %dma_start3A_11 = tpu.memref_slice %arg2[%dma_start3A_9, %dma_start3A_10] : memref<16384x128xf32, #tpu.memory_space<hbm>> -> memref<16384x128xf32, #tpu.memory_space<hbm>>
    tpu.enqueue_indirect_dma source(%dma_start3A_11 : memref<16384x128xf32, #tpu.memory_space<hbm>>) target(%arg7 : memref<128x128xf32, #tpu.memory_space<vmem>>) offsets(%dma_start3A_8 : memref<128xi32, #tpu.memory_space<vmem>>) semaphore(%arg12 : memref<!tpu.dma_semaphore, #tpu.memory_space<semaphore_mem>>)
    %add3A_12 = arith.constant 0 : i32
    %add3A_13 = arith.addi %mul3A_2, %add3A_12 : i32
    %dma_start3A_14 = arith.constant 0 : i32
    %dma_start3A_15 = tpu.memref_slice %arg3[%add3A_13, %dma_start3A_14] : memref<16384x128xf32, #tpu.memory_space<hbm>> -> memref<128x128xf32, #tpu.memory_space<hbm>>
    %dma_start3A_16 = arith.constant 0 : i32
    %dma_start3A_17 = tpu.memref_slice %arg3[%add3A_13, %dma_start3A_16] : memref<16384x128xf32, #tpu.memory_space<hbm>> -> memref<128x128xf32, #tpu.memory_space<hbm>>
    tpu.enqueue_dma source(%dma_start3A_17 : memref<128x128xf32, #tpu.memory_space<hbm>>) target(%arg9 : memref<128x128xf32, #tpu.memory_space<vmem>>) target_semaphore(%arg14 : memref<!tpu.dma_semaphore, #tpu.memory_space<semaphore_mem>>)
    %dma_start3A_18 = arith.constant 1 : i32
    %dma_start3A_19 = arith.constant 0 : i32
    %dma_start3A_20 = tpu.memref_slice %arg6[%dma_start3A_18, %dma_start3A_19] : memref<4x128xi32, #tpu.memory_space<vmem>> -> memref<1x128xi32, #tpu.memory_space<vmem>>
    %dma_start3A_21 = tpu.memref_squeeze %dma_start3A_20 : memref<1x128xi32, #tpu.memory_space<vmem>> -> memref<128xi32, #tpu.memory_space<vmem>>
    %dma_start3A_22 = arith.constant 0 : i32
    %dma_start3A_23 = arith.constant 0 : i32
    %dma_start3A_24 = tpu.memref_slice %arg2[%dma_start3A_22, %dma_start3A_23] : memref<16384x128xf32, #tpu.memory_space<hbm>> -> memref<16384x128xf32, #tpu.memory_space<hbm>>
    tpu.enqueue_indirect_dma source(%dma_start3A_24 : memref<16384x128xf32, #tpu.memory_space<hbm>>) target(%arg8 : memref<128x128xf32, #tpu.memory_space<vmem>>) offsets(%dma_start3A_21 : memref<128xi32, #tpu.memory_space<vmem>>) semaphore(%arg13 : memref<!tpu.dma_semaphore, #tpu.memory_space<semaphore_mem>>)
    %add3A_25 = arith.constant 128 : i32
    %add3A_26 = arith.addi %mul3A_2, %add3A_25 : i32
    %dma_start3A_27 = arith.constant 0 : i32
    %dma_start3A_28 = tpu.memref_slice %arg3[%add3A_26, %dma_start3A_27] : memref<16384x128xf32, #tpu.memory_space<hbm>> -> memref<128x128xf32, #tpu.memory_space<hbm>>
    %dma_start3A_29 = arith.constant 0 : i32
    %dma_start3A_30 = tpu.memref_slice %arg3[%add3A_26, %dma_start3A_29] : memref<16384x128xf32, #tpu.memory_space<hbm>> -> memref<128x128xf32, #tpu.memory_space<hbm>>
    tpu.enqueue_dma source(%dma_start3A_30 : memref<128x128xf32, #tpu.memory_space<hbm>>) target(%arg10 : memref<128x128xf32, #tpu.memory_space<vmem>>) target_semaphore(%arg15 : memref<!tpu.dma_semaphore, #tpu.memory_space<semaphore_mem>>)
    %dma_wait3A = arith.constant 0 : i32
    %dma_wait3A_31 = arith.constant 0 : i32
    %dma_wait3A_32 = tpu.memref_slice %arg6[%dma_wait3A, %dma_wait3A_31] : memref<4x128xi32, #tpu.memory_space<vmem>> -> memref<1x128xi32, #tpu.memory_space<vmem>>
    %dma_wait3A_33 = tpu.memref_squeeze %dma_wait3A_32 : memref<1x128xi32, #tpu.memory_space<vmem>> -> memref<128xi32, #tpu.memory_space<vmem>>
    %dma_wait3A_34 = arith.constant 0 : i32
    %dma_wait3A_35 = arith.constant 0 : i32
    %dma_wait3A_36 = tpu.memref_slice %arg2[%dma_wait3A_34, %dma_wait3A_35] : memref<16384x128xf32, #tpu.memory_space<hbm>> -> memref<16384x128xf32, #tpu.memory_space<hbm>>
    tpu.wait_indirect_dma semaphore(%arg12 : memref<!tpu.dma_semaphore, #tpu.memory_space<semaphore_mem>>) src(%dma_wait3A_36 : memref<16384x128xf32, #tpu.memory_space<hbm>>) dst(%arg7 : memref<128x128xf32, #tpu.memory_space<vmem>>)
    %dma_wait3A_37 = arith.constant 0 : i32
    %dma_wait3A_38 = tpu.memref_slice %arg3[%add3A_13, %dma_wait3A_37] : memref<16384x128xf32, #tpu.memory_space<hbm>> -> memref<128x128xf32, #tpu.memory_space<hbm>>
    %dma_wait3A_39 = arith.constant 0 : i32
    %dma_wait3A_40 = tpu.memref_slice %arg3[%add3A_13, %dma_wait3A_39] : memref<16384x128xf32, #tpu.memory_space<hbm>> -> memref<128x128xf32, #tpu.memory_space<hbm>>
    tpu.wait_dma2 semaphore(%arg14 : memref<!tpu.dma_semaphore, #tpu.memory_space<semaphore_mem>>) src(%dma_wait3A_40 : memref<128x128xf32, #tpu.memory_space<hbm>>) dst(%arg9 : memref<128x128xf32, #tpu.memory_space<vmem>>)
    %scan3A = arith.constant 0 : i32
    %scan3A_41 = arith.constant 128 : i32
    %scan3A_42 = arith.addi %scan3A, %scan3A_41 : i32
    %scan3A_43 = arith.constant 1 : i32
    %scan3A_44 = scf.for %scan3A_126 = %scan3A to %scan3A_42 step %scan3A_43 iter_args(%scan3A_127 = %broadcast_in_dim3A_5) -> (vector<16xf32>)  : i32 {
      %get3A = arith.index_cast %scan3A_126 : i32 to index
      %get3A_128 = arith.constant 0 : index
      %get3A_129 = tpu.vector_load %arg7[%get3A, %get3A_128] {strides = array<i32>} : memref<128x128xf32, #tpu.memory_space<vmem>>, vector<1x16xf32>,
      %get3A_130 = vector.shape_cast %get3A_129 : vector<1x16xf32> to vector<16xf32>
      %get3A_131 = arith.index_cast %scan3A_126 : i32 to index
      %get3A_132 = arith.constant 0 : index
      %get3A_133 = tpu.vector_load %arg9[%get3A_131, %get3A_132] {strides = array<i32>} : memref<128x128xf32, #tpu.memory_space<vmem>>, vector<1x16xf32>,
      %get3A_134 = vector.shape_cast %get3A_133 : vector<1x16xf32> to vector<16xf32>
      %mul3A_135 = arith.mulf %get3A_130, %get3A_134 : vector<16xf32>
      %add3A_136 = arith.addf %scan3A_127, %mul3A_135 : vector<16xf32>
      %get3A_137 = arith.index_cast %scan3A_126 : i32 to index
      %get3A_138 = arith.constant 16 : index
      %get3A_139 = tpu.vector_load %arg7[%get3A_137, %get3A_138] {strides = array<i32>} : memref<128x128xf32, #tpu.memory_space<vmem>>, vector<1x16xf32>,
      %get3A_140 = vector.shape_cast %get3A_139 : vector<1x16xf32> to vector<16xf32>
      %get3A_141 = arith.index_cast %scan3A_126 : i32 to index
      %get3A_142 = arith.constant 16 : index
      %get3A_143 = tpu.vector_load %arg9[%get3A_141, %get3A_142] {strides = array<i32>} : memref<128x128xf32, #tpu.memory_space<vmem>>, vector<1x16xf32>,
      %get3A_144 = vector.shape_cast %get3A_143 : vector<1x16xf32> to vector<16xf32>
      %mul3A_145 = arith.mulf %get3A_140, %get3A_144 : vector<16xf32>
      %add3A_146 = arith.addf %add3A_136, %mul3A_145 : vector<16xf32>
      %get3A_147 = arith.index_cast %scan3A_126 : i32 to index
      %get3A_148 = arith.constant 32 : index
      %get3A_149 = tpu.vector_load %arg7[%get3A_147, %get3A_148] {strides = array<i32>} : memref<128x128xf32, #tpu.memory_space<vmem>>, vector<1x16xf32>,
      %get3A_150 = vector.shape_cast %get3A_149 : vector<1x16xf32> to vector<16xf32>
      %get3A_151 = arith.index_cast %scan3A_126 : i32 to index
      %get3A_152 = arith.constant 32 : index
      %get3A_153 = tpu.vector_load %arg9[%get3A_151, %get3A_152] {strides = array<i32>} : memref<128x128xf32, #tpu.memory_space<vmem>>, vector<1x16xf32>,
      %get3A_154 = vector.shape_cast %get3A_153 : vector<1x16xf32> to vector<16xf32>
      %mul3A_155 = arith.mulf %get3A_150, %get3A_154 : vector<16xf32>
      %add3A_156 = arith.addf %add3A_146, %mul3A_155 : vector<16xf32>
      %get3A_157 = arith.index_cast %scan3A_126 : i32 to index
      %get3A_158 = arith.constant 48 : index
      %get3A_159 = tpu.vector_load %arg7[%get3A_157, %get3A_158] {strides = array<i32>} : memref<128x128xf32, #tpu.memory_space<vmem>>, vector<1x16xf32>,
      %get3A_160 = vector.shape_cast %get3A_159 : vector<1x16xf32> to vector<16xf32>
      %get3A_161 = arith.index_cast %scan3A_126 : i32 to index
      %get3A_162 = arith.constant 48 : index
      %get3A_163 = tpu.vector_load %arg9[%get3A_161, %get3A_162] {strides = array<i32>} : memref<128x128xf32, #tpu.memory_space<vmem>>, vector<1x16xf32>,
      %get3A_164 = vector.shape_cast %get3A_163 : vector<1x16xf32> to vector<16xf32>
      %mul3A_165 = arith.mulf %get3A_160, %get3A_164 : vector<16xf32>
      %add3A_166 = arith.addf %add3A_156, %mul3A_165 : vector<16xf32>
      %get3A_167 = arith.index_cast %scan3A_126 : i32 to index
      %get3A_168 = arith.constant 64 : index
      %get3A_169 = tpu.vector_load %arg7[%get3A_167, %get3A_168] {strides = array<i32>} : memref<128x128xf32, #tpu.memory_space<vmem>>, vector<1x16xf32>,
      %get3A_170 = vector.shape_cast %get3A_169 : vector<1x16xf32> to vector<16xf32>
      %get3A_171 = arith.index_cast %scan3A_126 : i32 to index
      %get3A_172 = arith.constant 64 : index
      %get3A_173 = tpu.vector_load %arg9[%get3A_171, %get3A_172] {strides = array<i32>} : memref<128x128xf32, #tpu.memory_space<vmem>>, vector<1x16xf32>,
      %get3A_174 = vector.shape_cast %get3A_173 : vector<1x16xf32> to vector<16xf32>
      %mul3A_175 = arith.mulf %get3A_170, %get3A_174 : vector<16xf32>
      %add3A_176 = arith.addf %add3A_166, %mul3A_175 : vector<16xf32>
      %get3A_177 = arith.index_cast %scan3A_126 : i32 to index
      %get3A_178 = arith.constant 80 : index
      %get3A_179 = tpu.vector_load %arg7[%get3A_177, %get3A_178] {strides = array<i32>} : memref<128x128xf32, #tpu.memory_space<vmem>>, vector<1x16xf32>,
      %get3A_180 = vector.shape_cast %get3A_179 : vector<1x16xf32> to vector<16xf32>
      %get3A_181 = arith.index_cast %scan3A_126 : i32 to index
      %get3A_182 = arith.constant 80 : index
      %get3A_183 = tpu.vector_load %arg9[%get3A_181, %get3A_182] {strides = array<i32>} : memref<128x128xf32, #tpu.memory_space<vmem>>, vector<1x16xf32>,
      %get3A_184 = vector.shape_cast %get3A_183 : vector<1x16xf32> to vector<16xf32>
      %mul3A_185 = arith.mulf %get3A_180, %get3A_184 : vector<16xf32>
      %add3A_186 = arith.addf %add3A_176, %mul3A_185 : vector<16xf32>
      %get3A_187 = arith.index_cast %scan3A_126 : i32 to index
      %get3A_188 = arith.constant 96 : index
      %get3A_189 = tpu.vector_load %arg7[%get3A_187, %get3A_188] {strides = array<i32>} : memref<128x128xf32, #tpu.memory_space<vmem>>, vector<1x16xf32>,
      %get3A_190 = vector.shape_cast %get3A_189 : vector<1x16xf32> to vector<16xf32>
      %get3A_191 = arith.index_cast %scan3A_126 : i32 to index
      %get3A_192 = arith.constant 96 : index
      %get3A_193 = tpu.vector_load %arg9[%get3A_191, %get3A_192] {strides = array<i32>} : memref<128x128xf32, #tpu.memory_space<vmem>>, vector<1x16xf32>,
      %get3A_194 = vector.shape_cast %get3A_193 : vector<1x16xf32> to vector<16xf32>
      %mul3A_195 = arith.mulf %get3A_190, %get3A_194 : vector<16xf32>
      %add3A_196 = arith.addf %add3A_186, %mul3A_195 : vector<16xf32>
      %get3A_197 = arith.index_cast %scan3A_126 : i32 to index
      %get3A_198 = arith.constant 112 : index
      %get3A_199 = tpu.vector_load %arg7[%get3A_197, %get3A_198] {strides = array<i32>} : memref<128x128xf32, #tpu.memory_space<vmem>>, vector<1x16xf32>,
      %get3A_200 = vector.shape_cast %get3A_199 : vector<1x16xf32> to vector<16xf32>
      %get3A_201 = arith.index_cast %scan3A_126 : i32 to index
      %get3A_202 = arith.constant 112 : index
      %get3A_203 = tpu.vector_load %arg9[%get3A_201, %get3A_202] {strides = array<i32>} : memref<128x128xf32, #tpu.memory_space<vmem>>, vector<1x16xf32>,
      %get3A_204 = vector.shape_cast %get3A_203 : vector<1x16xf32> to vector<16xf32>
      %mul3A_205 = arith.mulf %get3A_200, %get3A_204 : vector<16xf32>
      %add3A_206 = arith.addf %add3A_196, %mul3A_205 : vector<16xf32>
      scf.yield %add3A_206 : vector<16xf32>
    }
    %scan3A_45 = arith.constant 128 : i32
    %dma_start3A_46 = arith.constant 2 : i32
    %dma_start3A_47 = arith.constant 0 : i32
    %dma_start3A_48 = tpu.memref_slice %arg6[%dma_start3A_46, %dma_start3A_47] : memref<4x128xi32, #tpu.memory_space<vmem>> -> memref<1x128xi32, #tpu.memory_space<vmem>>
    %dma_start3A_49 = tpu.memref_squeeze %dma_start3A_48 : memref<1x128xi32, #tpu.memory_space<vmem>> -> memref<128xi32, #tpu.memory_space<vmem>>
    %dma_start3A_50 = arith.constant 0 : i32
    %dma_start3A_51 = arith.constant 0 : i32
    %dma_start3A_52 = tpu.memref_slice %arg2[%dma_start3A_50, %dma_start3A_51] : memref<16384x128xf32, #tpu.memory_space<hbm>> -> memref<16384x128xf32, #tpu.memory_space<hbm>>
    tpu.enqueue_indirect_dma source(%dma_start3A_52 : memref<16384x128xf32, #tpu.memory_space<hbm>>) target(%arg7 : memref<128x128xf32, #tpu.memory_space<vmem>>) offsets(%dma_start3A_49 : memref<128xi32, #tpu.memory_space<vmem>>) semaphore(%arg12 : memref<!tpu.dma_semaphore, #tpu.memory_space<semaphore_mem>>)
    %add3A_53 = arith.constant 256 : i32
    %add3A_54 = arith.addi %mul3A_2, %add3A_53 : i32
    %dma_start3A_55 = arith.constant 0 : i32
    %dma_start3A_56 = tpu.memref_slice %arg3[%add3A_54, %dma_start3A_55] : memref<16384x128xf32, #tpu.memory_space<hbm>> -> memref<128x128xf32, #tpu.memory_space<hbm>>
    %dma_start3A_57 = arith.constant 0 : i32
    %dma_start3A_58 = tpu.memref_slice %arg3[%add3A_54, %dma_start3A_57] : memref<16384x128xf32, #tpu.memory_space<hbm>> -> memref<128x128xf32, #tpu.memory_space<hbm>>
    tpu.enqueue_dma source(%dma_start3A_58 : memref<128x128xf32, #tpu.memory_space<hbm>>) target(%arg9 : memref<128x128xf32, #tpu.memory_space<vmem>>) target_semaphore(%arg14 : memref<!tpu.dma_semaphore, #tpu.memory_space<semaphore_mem>>)
    %dma_wait3A_59 = arith.constant 1 : i32
    %dma_wait3A_60 = arith.constant 0 : i32
    %dma_wait3A_61 = tpu.memref_slice %arg6[%dma_wait3A_59, %dma_wait3A_60] : memref<4x128xi32, #tpu.memory_space<vmem>> -> memref<1x128xi32, #tpu.memory_space<vmem>>
    %dma_wait3A_62 = tpu.memref_squeeze %dma_wait3A_61 : memref<1x128xi32, #tpu.memory_space<vmem>> -> memref<128xi32, #tpu.memory_space<vmem>>
    %dma_wait3A_63 = arith.constant 0 : i32
    %dma_wait3A_64 = arith.constant 0 : i32
    %dma_wait3A_65 = tpu.memref_slice %arg2[%dma_wait3A_63, %dma_wait3A_64] : memref<16384x128xf32, #tpu.memory_space<hbm>> -> memref<16384x128xf32, #tpu.memory_space<hbm>>
    tpu.wait_indirect_dma semaphore(%arg13 : memref<!tpu.dma_semaphore, #tpu.memory_space<semaphore_mem>>) src(%dma_wait3A_65 : memref<16384x128xf32, #tpu.memory_space<hbm>>) dst(%arg8 : memref<128x128xf32, #tpu.memory_space<vmem>>)
    %dma_wait3A_66 = arith.constant 0 : i32
    %dma_wait3A_67 = tpu.memref_slice %arg3[%add3A_26, %dma_wait3A_66] : memref<16384x128xf32, #tpu.memory_space<hbm>> -> memref<128x128xf32, #tpu.memory_space<hbm>>
    %dma_wait3A_68 = arith.constant 0 : i32
    %dma_wait3A_69 = tpu.memref_slice %arg3[%add3A_26, %dma_wait3A_68] : memref<16384x128xf32, #tpu.memory_space<hbm>> -> memref<128x128xf32, #tpu.memory_space<hbm>>
    tpu.wait_dma2 semaphore(%arg15 : memref<!tpu.dma_semaphore, #tpu.memory_space<semaphore_mem>>) src(%dma_wait3A_69 : memref<128x128xf32, #tpu.memory_space<hbm>>) dst(%arg10 : memref<128x128xf32, #tpu.memory_space<vmem>>)
    %scan3A_70 = arith.constant 0 : i32
    %scan3A_71 = arith.constant 128 : i32
    %scan3A_72 = arith.addi %scan3A_70, %scan3A_71 : i32
    %scan3A_73 = arith.constant 1 : i32
    %scan3A_74 = scf.for %scan3A_126 = %scan3A_70 to %scan3A_72 step %scan3A_73 iter_args(%scan3A_127 = %scan3A_44) -> (vector<16xf32>)  : i32 {
      %get3A = arith.index_cast %scan3A_126 : i32 to index
      %get3A_128 = arith.constant 0 : index
      %get3A_129 = tpu.vector_load %arg8[%get3A, %get3A_128] {strides = array<i32>} : memref<128x128xf32, #tpu.memory_space<vmem>>, vector<1x16xf32>,
      %get3A_130 = vector.shape_cast %get3A_129 : vector<1x16xf32> to vector<16xf32>
      %get3A_131 = arith.index_cast %scan3A_126 : i32 to index
      %get3A_132 = arith.constant 0 : index
      %get3A_133 = tpu.vector_load %arg10[%get3A_131, %get3A_132] {strides = array<i32>} : memref<128x128xf32, #tpu.memory_space<vmem>>, vector<1x16xf32>,
      %get3A_134 = vector.shape_cast %get3A_133 : vector<1x16xf32> to vector<16xf32>
      %mul3A_135 = arith.mulf %get3A_130, %get3A_134 : vector<16xf32>
      %add3A_136 = arith.addf %scan3A_127, %mul3A_135 : vector<16xf32>
      %get3A_137 = arith.index_cast %scan3A_126 : i32 to index
      %get3A_138 = arith.constant 16 : index
      %get3A_139 = tpu.vector_load %arg8[%get3A_137, %get3A_138] {strides = array<i32>} : memref<128x128xf32, #tpu.memory_space<vmem>>, vector<1x16xf32>,
      %get3A_140 = vector.shape_cast %get3A_139 : vector<1x16xf32> to vector<16xf32>
      %get3A_141 = arith.index_cast %scan3A_126 : i32 to index
      %get3A_142 = arith.constant 16 : index
      %get3A_143 = tpu.vector_load %arg10[%get3A_141, %get3A_142] {strides = array<i32>} : memref<128x128xf32, #tpu.memory_space<vmem>>, vector<1x16xf32>,
      %get3A_144 = vector.shape_cast %get3A_143 : vector<1x16xf32> to vector<16xf32>
      %mul3A_145 = arith.mulf %get3A_140, %get3A_144 : vector<16xf32>
      %add3A_146 = arith.addf %add3A_136, %mul3A_145 : vector<16xf32>
      %get3A_147 = arith.index_cast %scan3A_126 : i32 to index
      %get3A_148 = arith.constant 32 : index
      %get3A_149 = tpu.vector_load %arg8[%get3A_147, %get3A_148] {strides = array<i32>} : memref<128x128xf32, #tpu.memory_space<vmem>>, vector<1x16xf32>,
      %get3A_150 = vector.shape_cast %get3A_149 : vector<1x16xf32> to vector<16xf32>
      %get3A_151 = arith.index_cast %scan3A_126 : i32 to index
      %get3A_152 = arith.constant 32 : index
      %get3A_153 = tpu.vector_load %arg10[%get3A_151, %get3A_152] {strides = array<i32>} : memref<128x128xf32, #tpu.memory_space<vmem>>, vector<1x16xf32>,
      %get3A_154 = vector.shape_cast %get3A_153 : vector<1x16xf32> to vector<16xf32>
      %mul3A_155 = arith.mulf %get3A_150, %get3A_154 : vector<16xf32>
      %add3A_156 = arith.addf %add3A_146, %mul3A_155 : vector<16xf32>
      %get3A_157 = arith.index_cast %scan3A_126 : i32 to index
      %get3A_158 = arith.constant 48 : index
      %get3A_159 = tpu.vector_load %arg8[%get3A_157, %get3A_158] {strides = array<i32>} : memref<128x128xf32, #tpu.memory_space<vmem>>, vector<1x16xf32>,
      %get3A_160 = vector.shape_cast %get3A_159 : vector<1x16xf32> to vector<16xf32>
      %get3A_161 = arith.index_cast %scan3A_126 : i32 to index
      %get3A_162 = arith.constant 48 : index
      %get3A_163 = tpu.vector_load %arg10[%get3A_161, %get3A_162] {strides = array<i32>} : memref<128x128xf32, #tpu.memory_space<vmem>>, vector<1x16xf32>,
      %get3A_164 = vector.shape_cast %get3A_163 : vector<1x16xf32> to vector<16xf32>
      %mul3A_165 = arith.mulf %get3A_160, %get3A_164 : vector<16xf32>
      %add3A_166 = arith.addf %add3A_156, %mul3A_165 : vector<16xf32>
      %get3A_167 = arith.index_cast %scan3A_126 : i32 to index
      %get3A_168 = arith.constant 64 : index
      %get3A_169 = tpu.vector_load %arg8[%get3A_167, %get3A_168] {strides = array<i32>} : memref<128x128xf32, #tpu.memory_space<vmem>>, vector<1x16xf32>,
      %get3A_170 = vector.shape_cast %get3A_169 : vector<1x16xf32> to vector<16xf32>
      %get3A_171 = arith.index_cast %scan3A_126 : i32 to index
      %get3A_172 = arith.constant 64 : index
      %get3A_173 = tpu.vector_load %arg10[%get3A_171, %get3A_172] {strides = array<i32>} : memref<128x128xf32, #tpu.memory_space<vmem>>, vector<1x16xf32>,
      %get3A_174 = vector.shape_cast %get3A_173 : vector<1x16xf32> to vector<16xf32>
      %mul3A_175 = arith.mulf %get3A_170, %get3A_174 : vector<16xf32>
      %add3A_176 = arith.addf %add3A_166, %mul3A_175 : vector<16xf32>
      %get3A_177 = arith.index_cast %scan3A_126 : i32 to index
      %get3A_178 = arith.constant 80 : index
      %get3A_179 = tpu.vector_load %arg8[%get3A_177, %get3A_178] {strides = array<i32>} : memref<128x128xf32, #tpu.memory_space<vmem>>, vector<1x16xf32>,
      %get3A_180 = vector.shape_cast %get3A_179 : vector<1x16xf32> to vector<16xf32>
      %get3A_181 = arith.index_cast %scan3A_126 : i32 to index
      %get3A_182 = arith.constant 80 : index
      %get3A_183 = tpu.vector_load %arg10[%get3A_181, %get3A_182] {strides = array<i32>} : memref<128x128xf32, #tpu.memory_space<vmem>>, vector<1x16xf32>,
      %get3A_184 = vector.shape_cast %get3A_183 : vector<1x16xf32> to vector<16xf32>
      %mul3A_185 = arith.mulf %get3A_180, %get3A_184 : vector<16xf32>
      %add3A_186 = arith.addf %add3A_176, %mul3A_185 : vector<16xf32>
      %get3A_187 = arith.index_cast %scan3A_126 : i32 to index
      %get3A_188 = arith.constant 96 : index
      %get3A_189 = tpu.vector_load %arg8[%get3A_187, %get3A_188] {strides = array<i32>} : memref<128x128xf32, #tpu.memory_space<vmem>>, vector<1x16xf32>,
      %get3A_190 = vector.shape_cast %get3A_189 : vector<1x16xf32> to vector<16xf32>
      %get3A_191 = arith.index_cast %scan3A_126 : i32 to index
      %get3A_192 = arith.constant 96 : index
      %get3A_193 = tpu.vector_load %arg10[%get3A_191, %get3A_192] {strides = array<i32>} : memref<128x128xf32, #tpu.memory_space<vmem>>, vector<1x16xf32>,
      %get3A_194 = vector.shape_cast %get3A_193 : vector<1x16xf32> to vector<16xf32>
      %mul3A_195 = arith.mulf %get3A_190, %get3A_194 : vector<16xf32>
      %add3A_196 = arith.addf %add3A_186, %mul3A_195 : vector<16xf32>
      %get3A_197 = arith.index_cast %scan3A_126 : i32 to index
      %get3A_198 = arith.constant 112 : index
      %get3A_199 = tpu.vector_load %arg8[%get3A_197, %get3A_198] {strides = array<i32>} : memref<128x128xf32, #tpu.memory_space<vmem>>, vector<1x16xf32>,
      %get3A_200 = vector.shape_cast %get3A_199 : vector<1x16xf32> to vector<16xf32>
      %get3A_201 = arith.index_cast %scan3A_126 : i32 to index
      %get3A_202 = arith.constant 112 : index
      %get3A_203 = tpu.vector_load %arg10[%get3A_201, %get3A_202] {strides = array<i32>} : memref<128x128xf32, #tpu.memory_space<vmem>>, vector<1x16xf32>,
      %get3A_204 = vector.shape_cast %get3A_203 : vector<1x16xf32> to vector<16xf32>
      %mul3A_205 = arith.mulf %get3A_200, %get3A_204 : vector<16xf32>
      %add3A_206 = arith.addf %add3A_196, %mul3A_205 : vector<16xf32>
      scf.yield %add3A_206 : vector<16xf32>
    }
    %scan3A_75 = arith.constant 128 : i32
    %dma_start3A_76 = arith.constant 3 : i32
    %dma_start3A_77 = arith.constant 0 : i32
    %dma_start3A_78 = tpu.memref_slice %arg6[%dma_start3A_76, %dma_start3A_77] : memref<4x128xi32, #tpu.memory_space<vmem>> -> memref<1x128xi32, #tpu.memory_space<vmem>>
    %dma_start3A_79 = tpu.memref_squeeze %dma_start3A_78 : memref<1x128xi32, #tpu.memory_space<vmem>> -> memref<128xi32, #tpu.memory_space<vmem>>
    %dma_start3A_80 = arith.constant 0 : i32
    %dma_start3A_81 = arith.constant 0 : i32
    %dma_start3A_82 = tpu.memref_slice %arg2[%dma_start3A_80, %dma_start3A_81] : memref<16384x128xf32, #tpu.memory_space<hbm>> -> memref<16384x128xf32, #tpu.memory_space<hbm>>
    tpu.enqueue_indirect_dma source(%dma_start3A_82 : memref<16384x128xf32, #tpu.memory_space<hbm>>) target(%arg8 : memref<128x128xf32, #tpu.memory_space<vmem>>) offsets(%dma_start3A_79 : memref<128xi32, #tpu.memory_space<vmem>>) semaphore(%arg13 : memref<!tpu.dma_semaphore, #tpu.memory_space<semaphore_mem>>)
    %add3A_83 = arith.constant 384 : i32
    %add3A_84 = arith.addi %mul3A_2, %add3A_83 : i32
    %dma_start3A_85 = arith.constant 0 : i32
    %dma_start3A_86 = tpu.memref_slice %arg3[%add3A_84, %dma_start3A_85] : memref<16384x128xf32, #tpu.memory_space<hbm>> -> memref<128x128xf32, #tpu.memory_space<hbm>>
    %dma_start3A_87 = arith.constant 0 : i32
    %dma_start3A_88 = tpu.memref_slice %arg3[%add3A_84, %dma_start3A_87] : memref<16384x128xf32, #tpu.memory_space<hbm>> -> memref<128x128xf32, #tpu.memory_space<hbm>>
    tpu.enqueue_dma source(%dma_start3A_88 : memref<128x128xf32, #tpu.memory_space<hbm>>) target(%arg10 : memref<128x128xf32, #tpu.memory_space<vmem>>) target_semaphore(%arg15 : memref<!tpu.dma_semaphore, #tpu.memory_space<semaphore_mem>>)
    %dma_wait3A_89 = arith.constant 2 : i32
    %dma_wait3A_90 = arith.constant 0 : i32
    %dma_wait3A_91 = tpu.memref_slice %arg6[%dma_wait3A_89, %dma_wait3A_90] : memref<4x128xi32, #tpu.memory_space<vmem>> -> memref<1x128xi32, #tpu.memory_space<vmem>>
    %dma_wait3A_92 = tpu.memref_squeeze %dma_wait3A_91 : memref<1x128xi32, #tpu.memory_space<vmem>> -> memref<128xi32, #tpu.memory_space<vmem>>
    %dma_wait3A_93 = arith.constant 0 : i32
    %dma_wait3A_94 = arith.constant 0 : i32
    %dma_wait3A_95 = tpu.memref_slice %arg2[%dma_wait3A_93, %dma_wait3A_94] : memref<16384x128xf32, #tpu.memory_space<hbm>> -> memref<16384x128xf32, #tpu.memory_space<hbm>>
    tpu.wait_indirect_dma semaphore(%arg12 : memref<!tpu.dma_semaphore, #tpu.memory_space<semaphore_mem>>) src(%dma_wait3A_95 : memref<16384x128xf32, #tpu.memory_space<hbm>>) dst(%arg7 : memref<128x128xf32, #tpu.memory_space<vmem>>)
    %dma_wait3A_96 = arith.constant 0 : i32
    %dma_wait3A_97 = tpu.memref_slice %arg3[%add3A_54, %dma_wait3A_96] : memref<16384x128xf32, #tpu.memory_space<hbm>> -> memref<128x128xf32, #tpu.memory_space<hbm>>
    %dma_wait3A_98 = arith.constant 0 : i32
    %dma_wait3A_99 = tpu.memref_slice %arg3[%add3A_54, %dma_wait3A_98] : memref<16384x128xf32, #tpu.memory_space<hbm>> -> memref<128x128xf32, #tpu.memory_space<hbm>>
    tpu.wait_dma2 semaphore(%arg14 : memref<!tpu.dma_semaphore, #tpu.memory_space<semaphore_mem>>) src(%dma_wait3A_99 : memref<128x128xf32, #tpu.memory_space<hbm>>) dst(%arg9 : memref<128x128xf32, #tpu.memory_space<vmem>>)
    %scan3A_100 = arith.constant 0 : i32
    %scan3A_101 = arith.constant 128 : i32
    %scan3A_102 = arith.addi %scan3A_100, %scan3A_101 : i32
    %scan3A_103 = arith.constant 1 : i32
    %scan3A_104 = scf.for %scan3A_126 = %scan3A_100 to %scan3A_102 step %scan3A_103 iter_args(%scan3A_127 = %scan3A_74) -> (vector<16xf32>)  : i32 {
      %get3A = arith.index_cast %scan3A_126 : i32 to index
      %get3A_128 = arith.constant 0 : index
      %get3A_129 = tpu.vector_load %arg7[%get3A, %get3A_128] {strides = array<i32>} : memref<128x128xf32, #tpu.memory_space<vmem>>, vector<1x16xf32>,
      %get3A_130 = vector.shape_cast %get3A_129 : vector<1x16xf32> to vector<16xf32>
      %get3A_131 = arith.index_cast %scan3A_126 : i32 to index
      %get3A_132 = arith.constant 0 : index
      %get3A_133 = tpu.vector_load %arg9[%get3A_131, %get3A_132] {strides = array<i32>} : memref<128x128xf32, #tpu.memory_space<vmem>>, vector<1x16xf32>,
      %get3A_134 = vector.shape_cast %get3A_133 : vector<1x16xf32> to vector<16xf32>
      %mul3A_135 = arith.mulf %get3A_130, %get3A_134 : vector<16xf32>
      %add3A_136 = arith.addf %scan3A_127, %mul3A_135 : vector<16xf32>
      %get3A_137 = arith.index_cast %scan3A_126 : i32 to index
      %get3A_138 = arith.constant 16 : index
      %get3A_139 = tpu.vector_load %arg7[%get3A_137, %get3A_138] {strides = array<i32>} : memref<128x128xf32, #tpu.memory_space<vmem>>, vector<1x16xf32>,
      %get3A_140 = vector.shape_cast %get3A_139 : vector<1x16xf32> to vector<16xf32>
      %get3A_141 = arith.index_cast %scan3A_126 : i32 to index
      %get3A_142 = arith.constant 16 : index
      %get3A_143 = tpu.vector_load %arg9[%get3A_141, %get3A_142] {strides = array<i32>} : memref<128x128xf32, #tpu.memory_space<vmem>>, vector<1x16xf32>,
      %get3A_144 = vector.shape_cast %get3A_143 : vector<1x16xf32> to vector<16xf32>
      %mul3A_145 = arith.mulf %get3A_140, %get3A_144 : vector<16xf32>
      %add3A_146 = arith.addf %add3A_136, %mul3A_145 : vector<16xf32>
      %get3A_147 = arith.index_cast %scan3A_126 : i32 to index
      %get3A_148 = arith.constant 32 : index
      %get3A_149 = tpu.vector_load %arg7[%get3A_147, %get3A_148] {strides = array<i32>} : memref<128x128xf32, #tpu.memory_space<vmem>>, vector<1x16xf32>,
      %get3A_150 = vector.shape_cast %get3A_149 : vector<1x16xf32> to vector<16xf32>
      %get3A_151 = arith.index_cast %scan3A_126 : i32 to index
      %get3A_152 = arith.constant 32 : index
      %get3A_153 = tpu.vector_load %arg9[%get3A_151, %get3A_152] {strides = array<i32>} : memref<128x128xf32, #tpu.memory_space<vmem>>, vector<1x16xf32>,
      %get3A_154 = vector.shape_cast %get3A_153 : vector<1x16xf32> to vector<16xf32>
      %mul3A_155 = arith.mulf %get3A_150, %get3A_154 : vector<16xf32>
      %add3A_156 = arith.addf %add3A_146, %mul3A_155 : vector<16xf32>
      %get3A_157 = arith.index_cast %scan3A_126 : i32 to index
      %get3A_158 = arith.constant 48 : index
      %get3A_159 = tpu.vector_load %arg7[%get3A_157, %get3A_158] {strides = array<i32>} : memref<128x128xf32, #tpu.memory_space<vmem>>, vector<1x16xf32>,
      %get3A_160 = vector.shape_cast %get3A_159 : vector<1x16xf32> to vector<16xf32>
      %get3A_161 = arith.index_cast %scan3A_126 : i32 to index
      %get3A_162 = arith.constant 48 : index
      %get3A_163 = tpu.vector_load %arg9[%get3A_161, %get3A_162] {strides = array<i32>} : memref<128x128xf32, #tpu.memory_space<vmem>>, vector<1x16xf32>,
      %get3A_164 = vector.shape_cast %get3A_163 : vector<1x16xf32> to vector<16xf32>
      %mul3A_165 = arith.mulf %get3A_160, %get3A_164 : vector<16xf32>
      %add3A_166 = arith.addf %add3A_156, %mul3A_165 : vector<16xf32>
      %get3A_167 = arith.index_cast %scan3A_126 : i32 to index
      %get3A_168 = arith.constant 64 : index
      %get3A_169 = tpu.vector_load %arg7[%get3A_167, %get3A_168] {strides = array<i32>} : memref<128x128xf32, #tpu.memory_space<vmem>>, vector<1x16xf32>,
      %get3A_170 = vector.shape_cast %get3A_169 : vector<1x16xf32> to vector<16xf32>
      %get3A_171 = arith.index_cast %scan3A_126 : i32 to index
      %get3A_172 = arith.constant 64 : index
      %get3A_173 = tpu.vector_load %arg9[%get3A_171, %get3A_172] {strides = array<i32>} : memref<128x128xf32, #tpu.memory_space<vmem>>, vector<1x16xf32>,
      %get3A_174 = vector.shape_cast %get3A_173 : vector<1x16xf32> to vector<16xf32>
      %mul3A_175 = arith.mulf %get3A_170, %get3A_174 : vector<16xf32>
      %add3A_176 = arith.addf %add3A_166, %mul3A_175 : vector<16xf32>
      %get3A_177 = arith.index_cast %scan3A_126 : i32 to index
      %get3A_178 = arith.constant 80 : index
      %get3A_179 = tpu.vector_load %arg7[%get3A_177, %get3A_178] {strides = array<i32>} : memref<128x128xf32, #tpu.memory_space<vmem>>, vector<1x16xf32>,
      %get3A_180 = vector.shape_cast %get3A_179 : vector<1x16xf32> to vector<16xf32>
      %get3A_181 = arith.index_cast %scan3A_126 : i32 to index
      %get3A_182 = arith.constant 80 : index
      %get3A_183 = tpu.vector_load %arg9[%get3A_181, %get3A_182] {strides = array<i32>} : memref<128x128xf32, #tpu.memory_space<vmem>>, vector<1x16xf32>,
      %get3A_184 = vector.shape_cast %get3A_183 : vector<1x16xf32> to vector<16xf32>
      %mul3A_185 = arith.mulf %get3A_180, %get3A_184 : vector<16xf32>
      %add3A_186 = arith.addf %add3A_176, %mul3A_185 : vector<16xf32>
      %get3A_187 = arith.index_cast %scan3A_126 : i32 to index
      %get3A_188 = arith.constant 96 : index
      %get3A_189 = tpu.vector_load %arg7[%get3A_187, %get3A_188] {strides = array<i32>} : memref<128x128xf32, #tpu.memory_space<vmem>>, vector<1x16xf32>,
      %get3A_190 = vector.shape_cast %get3A_189 : vector<1x16xf32> to vector<16xf32>
      %get3A_191 = arith.index_cast %scan3A_126 : i32 to index
      %get3A_192 = arith.constant 96 : index
      %get3A_193 = tpu.vector_load %arg9[%get3A_191, %get3A_192] {strides = array<i32>} : memref<128x128xf32, #tpu.memory_space<vmem>>, vector<1x16xf32>,
      %get3A_194 = vector.shape_cast %get3A_193 : vector<1x16xf32> to vector<16xf32>
      %mul3A_195 = arith.mulf %get3A_190, %get3A_194 : vector<16xf32>
      %add3A_196 = arith.addf %add3A_186, %mul3A_195 : vector<16xf32>
      %get3A_197 = arith.index_cast %scan3A_126 : i32 to index
      %get3A_198 = arith.constant 112 : index
      %get3A_199 = tpu.vector_load %arg7[%get3A_197, %get3A_198] {strides = array<i32>} : memref<128x128xf32, #tpu.memory_space<vmem>>, vector<1x16xf32>,
      %get3A_200 = vector.shape_cast %get3A_199 : vector<1x16xf32> to vector<16xf32>
      %get3A_201 = arith.index_cast %scan3A_126 : i32 to index
      %get3A_202 = arith.constant 112 : index
      %get3A_203 = tpu.vector_load %arg9[%get3A_201, %get3A_202] {strides = array<i32>} : memref<128x128xf32, #tpu.memory_space<vmem>>, vector<1x16xf32>,
      %get3A_204 = vector.shape_cast %get3A_203 : vector<1x16xf32> to vector<16xf32>
      %mul3A_205 = arith.mulf %get3A_200, %get3A_204 : vector<16xf32>
      %add3A_206 = arith.addf %add3A_196, %mul3A_205 : vector<16xf32>
      scf.yield %add3A_206 : vector<16xf32>
    }
    %scan3A_105 = arith.constant 128 : i32
    %dma_wait3A_106 = arith.constant 3 : i32
    %dma_wait3A_107 = arith.constant 0 : i32
    %dma_wait3A_108 = tpu.memref_slice %arg6[%dma_wait3A_106, %dma_wait3A_107] : memref<4x128xi32, #tpu.memory_space<vmem>> -> memref<1x128xi32, #tpu.memory_space<vmem>>
    %dma_wait3A_109 = tpu.memref_squeeze %dma_wait3A_108 : memref<1x128xi32, #tpu.memory_space<vmem>> -> memref<128xi32, #tpu.memory_space<vmem>>
    %dma_wait3A_110 = arith.constant 0 : i32
    %dma_wait3A_111 = arith.constant 0 : i32
    %dma_wait3A_112 = tpu.memref_slice %arg2[%dma_wait3A_110, %dma_wait3A_111] : memref<16384x128xf32, #tpu.memory_space<hbm>> -> memref<16384x128xf32, #tpu.memory_space<hbm>>
    tpu.wait_indirect_dma semaphore(%arg13 : memref<!tpu.dma_semaphore, #tpu.memory_space<semaphore_mem>>) src(%dma_wait3A_112 : memref<16384x128xf32, #tpu.memory_space<hbm>>) dst(%arg8 : memref<128x128xf32, #tpu.memory_space<vmem>>)
    %dma_wait3A_113 = arith.constant 0 : i32
    %dma_wait3A_114 = tpu.memref_slice %arg3[%add3A_84, %dma_wait3A_113] : memref<16384x128xf32, #tpu.memory_space<hbm>> -> memref<128x128xf32, #tpu.memory_space<hbm>>
    %dma_wait3A_115 = arith.constant 0 : i32
    %dma_wait3A_116 = tpu.memref_slice %arg3[%add3A_84, %dma_wait3A_115] : memref<16384x128xf32, #tpu.memory_space<hbm>> -> memref<128x128xf32, #tpu.memory_space<hbm>>
    tpu.wait_dma2 semaphore(%arg15 : memref<!tpu.dma_semaphore, #tpu.memory_space<semaphore_mem>>) src(%dma_wait3A_116 : memref<128x128xf32, #tpu.memory_space<hbm>>) dst(%arg10 : memref<128x128xf32, #tpu.memory_space<vmem>>)
    %scan3A_117 = arith.constant 0 : i32
    %scan3A_118 = arith.constant 128 : i32
    %scan3A_119 = arith.addi %scan3A_117, %scan3A_118 : i32
    %scan3A_120 = arith.constant 1 : i32
    %scan3A_121 = scf.for %scan3A_126 = %scan3A_117 to %scan3A_119 step %scan3A_120 iter_args(%scan3A_127 = %scan3A_104) -> (vector<16xf32>)  : i32 {
      %get3A = arith.index_cast %scan3A_126 : i32 to index
      %get3A_128 = arith.constant 0 : index
      %get3A_129 = tpu.vector_load %arg8[%get3A, %get3A_128] {strides = array<i32>} : memref<128x128xf32, #tpu.memory_space<vmem>>, vector<1x16xf32>,
      %get3A_130 = vector.shape_cast %get3A_129 : vector<1x16xf32> to vector<16xf32>
      %get3A_131 = arith.index_cast %scan3A_126 : i32 to index
      %get3A_132 = arith.constant 0 : index
      %get3A_133 = tpu.vector_load %arg10[%get3A_131, %get3A_132] {strides = array<i32>} : memref<128x128xf32, #tpu.memory_space<vmem>>, vector<1x16xf32>,
      %get3A_134 = vector.shape_cast %get3A_133 : vector<1x16xf32> to vector<16xf32>
      %mul3A_135 = arith.mulf %get3A_130, %get3A_134 : vector<16xf32>
      %add3A_136 = arith.addf %scan3A_127, %mul3A_135 : vector<16xf32>
      %get3A_137 = arith.index_cast %scan3A_126 : i32 to index
      %get3A_138 = arith.constant 16 : index
      %get3A_139 = tpu.vector_load %arg8[%get3A_137, %get3A_138] {strides = array<i32>} : memref<128x128xf32, #tpu.memory_space<vmem>>, vector<1x16xf32>,
      %get3A_140 = vector.shape_cast %get3A_139 : vector<1x16xf32> to vector<16xf32>
      %get3A_141 = arith.index_cast %scan3A_126 : i32 to index
      %get3A_142 = arith.constant 16 : index
      %get3A_143 = tpu.vector_load %arg10[%get3A_141, %get3A_142] {strides = array<i32>} : memref<128x128xf32, #tpu.memory_space<vmem>>, vector<1x16xf32>,
      %get3A_144 = vector.shape_cast %get3A_143 : vector<1x16xf32> to vector<16xf32>
      %mul3A_145 = arith.mulf %get3A_140, %get3A_144 : vector<16xf32>
      %add3A_146 = arith.addf %add3A_136, %mul3A_145 : vector<16xf32>
      %get3A_147 = arith.index_cast %scan3A_126 : i32 to index
      %get3A_148 = arith.constant 32 : index
      %get3A_149 = tpu.vector_load %arg8[%get3A_147, %get3A_148] {strides = array<i32>} : memref<128x128xf32, #tpu.memory_space<vmem>>, vector<1x16xf32>,
      %get3A_150 = vector.shape_cast %get3A_149 : vector<1x16xf32> to vector<16xf32>
      %get3A_151 = arith.index_cast %scan3A_126 : i32 to index
      %get3A_152 = arith.constant 32 : index
      %get3A_153 = tpu.vector_load %arg10[%get3A_151, %get3A_152] {strides = array<i32>} : memref<128x128xf32, #tpu.memory_space<vmem>>, vector<1x16xf32>,
      %get3A_154 = vector.shape_cast %get3A_153 : vector<1x16xf32> to vector<16xf32>
      %mul3A_155 = arith.mulf %get3A_150, %get3A_154 : vector<16xf32>
      %add3A_156 = arith.addf %add3A_146, %mul3A_155 : vector<16xf32>
      %get3A_157 = arith.index_cast %scan3A_126 : i32 to index
      %get3A_158 = arith.constant 48 : index
      %get3A_159 = tpu.vector_load %arg8[%get3A_157, %get3A_158] {strides = array<i32>} : memref<128x128xf32, #tpu.memory_space<vmem>>, vector<1x16xf32>,
      %get3A_160 = vector.shape_cast %get3A_159 : vector<1x16xf32> to vector<16xf32>
      %get3A_161 = arith.index_cast %scan3A_126 : i32 to index
      %get3A_162 = arith.constant 48 : index
      %get3A_163 = tpu.vector_load %arg10[%get3A_161, %get3A_162] {strides = array<i32>} : memref<128x128xf32, #tpu.memory_space<vmem>>, vector<1x16xf32>,
      %get3A_164 = vector.shape_cast %get3A_163 : vector<1x16xf32> to vector<16xf32>
      %mul3A_165 = arith.mulf %get3A_160, %get3A_164 : vector<16xf32>
      %add3A_166 = arith.addf %add3A_156, %mul3A_165 : vector<16xf32>
      %get3A_167 = arith.index_cast %scan3A_126 : i32 to index
      %get3A_168 = arith.constant 64 : index
      %get3A_169 = tpu.vector_load %arg8[%get3A_167, %get3A_168] {strides = array<i32>} : memref<128x128xf32, #tpu.memory_space<vmem>>, vector<1x16xf32>,
      %get3A_170 = vector.shape_cast %get3A_169 : vector<1x16xf32> to vector<16xf32>
      %get3A_171 = arith.index_cast %scan3A_126 : i32 to index
      %get3A_172 = arith.constant 64 : index
      %get3A_173 = tpu.vector_load %arg10[%get3A_171, %get3A_172] {strides = array<i32>} : memref<128x128xf32, #tpu.memory_space<vmem>>, vector<1x16xf32>,
      %get3A_174 = vector.shape_cast %get3A_173 : vector<1x16xf32> to vector<16xf32>
      %mul3A_175 = arith.mulf %get3A_170, %get3A_174 : vector<16xf32>
      %add3A_176 = arith.addf %add3A_166, %mul3A_175 : vector<16xf32>
      %get3A_177 = arith.index_cast %scan3A_126 : i32 to index
      %get3A_178 = arith.constant 80 : index
      %get3A_179 = tpu.vector_load %arg8[%get3A_177, %get3A_178] {strides = array<i32>} : memref<128x128xf32, #tpu.memory_space<vmem>>, vector<1x16xf32>,
      %get3A_180 = vector.shape_cast %get3A_179 : vector<1x16xf32> to vector<16xf32>
      %get3A_181 = arith.index_cast %scan3A_126 : i32 to index
      %get3A_182 = arith.constant 80 : index
      %get3A_183 = tpu.vector_load %arg10[%get3A_181, %get3A_182] {strides = array<i32>} : memref<128x128xf32, #tpu.memory_space<vmem>>, vector<1x16xf32>,
      %get3A_184 = vector.shape_cast %get3A_183 : vector<1x16xf32> to vector<16xf32>
      %mul3A_185 = arith.mulf %get3A_180, %get3A_184 : vector<16xf32>
      %add3A_186 = arith.addf %add3A_176, %mul3A_185 : vector<16xf32>
      %get3A_187 = arith.index_cast %scan3A_126 : i32 to index
      %get3A_188 = arith.constant 96 : index
      %get3A_189 = tpu.vector_load %arg8[%get3A_187, %get3A_188] {strides = array<i32>} : memref<128x128xf32, #tpu.memory_space<vmem>>, vector<1x16xf32>,
      %get3A_190 = vector.shape_cast %get3A_189 : vector<1x16xf32> to vector<16xf32>
      %get3A_191 = arith.index_cast %scan3A_126 : i32 to index
      %get3A_192 = arith.constant 96 : index
      %get3A_193 = tpu.vector_load %arg10[%get3A_191, %get3A_192] {strides = array<i32>} : memref<128x128xf32, #tpu.memory_space<vmem>>, vector<1x16xf32>,
      %get3A_194 = vector.shape_cast %get3A_193 : vector<1x16xf32> to vector<16xf32>
      %mul3A_195 = arith.mulf %get3A_190, %get3A_194 : vector<16xf32>
      %add3A_196 = arith.addf %add3A_186, %mul3A_195 : vector<16xf32>
      %get3A_197 = arith.index_cast %scan3A_126 : i32 to index
      %get3A_198 = arith.constant 112 : index
      %get3A_199 = tpu.vector_load %arg8[%get3A_197, %get3A_198] {strides = array<i32>} : memref<128x128xf32, #tpu.memory_space<vmem>>, vector<1x16xf32>,
      %get3A_200 = vector.shape_cast %get3A_199 : vector<1x16xf32> to vector<16xf32>
      %get3A_201 = arith.index_cast %scan3A_126 : i32 to index
      %get3A_202 = arith.constant 112 : index
      %get3A_203 = tpu.vector_load %arg10[%get3A_201, %get3A_202] {strides = array<i32>} : memref<128x128xf32, #tpu.memory_space<vmem>>, vector<1x16xf32>,
      %get3A_204 = vector.shape_cast %get3A_203 : vector<1x16xf32> to vector<16xf32>
      %mul3A_205 = arith.mulf %get3A_200, %get3A_204 : vector<16xf32>
      %add3A_206 = arith.addf %add3A_196, %mul3A_205 : vector<16xf32>
      scf.yield %add3A_206 : vector<16xf32>
    }
    %scan3A_122 = arith.constant 128 : i32
    %swap3A = arith.constant 0 : index
    %swap3A_123 = tpu.vector_load %arg11[%swap3A] {strides = array<i32>} : memref<16xf32, #tpu.memory_space<vmem>>, vector<16xf32>,
    %swap3A_124 = vector.shape_cast %swap3A_123 : vector<16xf32> to vector<16xf32>
    %swap3A_125 = vector.shape_cast %scan3A_121 : vector<16xf32> to vector<16xf32>
    tpu.vector_store %arg11[%swap3A], %swap3A_125 {strides = array<i32>} : memref<16xf32, #tpu.memory_space<vmem>>, vector<16xf32>,
    "tpu.region"() ({
      %run_scoped3A = tpu.sem_alloc : memref<!tpu.dma_semaphore, #tpu.memory_space<semaphore_mem>>
      %dma_start3A_126 = arith.constant 0 : i32
      %dma_start3A_127 = tpu.memref_slice %arg5[%add3A, %dma_start3A_126] : memref<32x16xf32, #tpu.memory_space<hbm>> -> memref<1x16xf32, #tpu.memory_space<hbm>>
      %dma_start3A_128 = tpu.memref_squeeze %dma_start3A_127 : memref<1x16xf32, #tpu.memory_space<hbm>> -> memref<16xf32, #tpu.memory_space<hbm>>
      %dma_start3A_129 = arith.constant 0 : i32
      %dma_start3A_130 = tpu.memref_slice %arg5[%add3A, %dma_start3A_129] : memref<32x16xf32, #tpu.memory_space<hbm>> -> memref<1x16xf32, #tpu.memory_space<hbm>>
      %dma_start3A_131 = tpu.memref_squeeze %dma_start3A_130 : memref<1x16xf32, #tpu.memory_space<hbm>> -> memref<16xf32, #tpu.memory_space<hbm>>
      tpu.enqueue_dma source(%arg11 : memref<16xf32, #tpu.memory_space<vmem>>) target(%dma_start3A_131 : memref<16xf32, #tpu.memory_space<hbm>>) target_semaphore(%run_scoped3A : memref<!tpu.dma_semaphore, #tpu.memory_space<semaphore_mem>>)
      %dma_wait3A_132 = arith.constant 0 : i32
      %dma_wait3A_133 = tpu.memref_slice %arg5[%add3A, %dma_wait3A_132] : memref<32x16xf32, #tpu.memory_space<hbm>> -> memref<1x16xf32, #tpu.memory_space<hbm>>
      %dma_wait3A_134 = tpu.memref_squeeze %dma_wait3A_133 : memref<1x16xf32, #tpu.memory_space<hbm>> -> memref<16xf32, #tpu.memory_space<hbm>>
      %dma_wait3A_135 = arith.constant 0 : i32
      %dma_wait3A_136 = tpu.memref_slice %arg5[%add3A, %dma_wait3A_135] : memref<32x16xf32, #tpu.memory_space<hbm>> -> memref<1x16xf32, #tpu.memory_space<hbm>>
      %dma_wait3A_137 = tpu.memref_squeeze %dma_wait3A_136 : memref<1x16xf32, #tpu.memory_space<hbm>> -> memref<16xf32, #tpu.memory_space<hbm>>
      tpu.wait_dma2 semaphore(%run_scoped3A : memref<!tpu.dma_semaphore, #tpu.memory_space<semaphore_mem>>) src(%arg11 : memref<16xf32, #tpu.memory_space<vmem>>) dst(%dma_wait3A_137 : memref<16xf32, #tpu.memory_space<hbm>>)
      tpu.yield
    }) : () -> ()
    return
  }
}

module attributes {stable_mosaic.version = 14 : i64} {
  func.func @_scan_norm_body(%arg0: i32, %arg1: memref<128x128xi32, #tpu.memory_space<vmem>>, %arg2: memref<16x128x128xf32, #tpu.memory_space<vmem>>, %arg3: memref<128x128xi32, #tpu.memory_space<vmem>>, %arg4: memref<16x128x128xf32, #tpu.memory_space<vmem>>, %arg5: memref<16x128x128xf32, #tpu.memory_space<vmem>>, %arg6: memref<128x128xf32, #tpu.memory_space<vmem>>) attributes {dimension_semantics = [#tpu.dimension_semantics<arbitrary>], iteration_bounds = array<i64: 9>, scalar_prefetch = 0 : i64, scratch_operands = 1 : i64, tpu.core_type = #tpu.core_type<tc>, window_params = [{pipeline_mode = #tpu.pipeline_mode<synchronous>, transform_indices = @transform_0, window_bounds = array<i64: 128, 128>}, {transform_indices = @transform_1, window_bounds = array<i64: 16, 128, 128>}, {pipeline_mode = #tpu.pipeline_mode<synchronous>, transform_indices = @transform_2, window_bounds = array<i64: 128, 128>}, {transform_indices = @transform_3, window_bounds = array<i64: 16, 128, 128>}, {transform_indices = @transform_4, window_bounds = array<i64: 16, 128, 128>}]} {
    %eq3A = arith.constant 0 : i32
    %eq3A_0 = arith.cmpi eq, %arg0, %eq3A : i32
    %convert_element_type3A = arith.extui %eq3A_0 : i1 to i32
    %cond3A = arith.constant 0 : i32
    %cond3A_1 = arith.cmpi ne, %convert_element_type3A, %cond3A : i32
    scf.if %cond3A_1 {
      %get3A = arith.constant 0 : index
      %get3A_6 = arith.constant 0 : index
      %get3A_7 = vector.load %arg1[%get3A, %get3A_6] : memref<128x128xi32, #tpu.memory_space<vmem>>, vector<128x128xi32>
      %iota3A = tpu.iota {dimensions = array<i32: 0>} : vector<128x128xi32>
      %mul3A = arith.constant 128 : i32
      %mul3A_8 = vector.broadcast %mul3A : i32 to vector<128x128xi32>
      %mul3A_9 = arith.muli %iota3A, %mul3A_8 : vector<128x128xi32>
      %iota3A_10 = tpu.iota {dimensions = array<i32: 1>} : vector<128x128xi32>
      %add3A = arith.addi %mul3A_9, %iota3A_10 : vector<128x128xi32>
      %eq3A_11 = arith.constant 0 : i32
      %eq3A_12 = vector.broadcast %eq3A_11 : i32 to vector<128x128xi32>
      %eq3A_13 = arith.cmpi eq, %get3A_7, %eq3A_12 : vector<128x128xi32>
      %jit3A = arith.constant -1 : i32
      %broadcast_in_dim3A = vector.broadcast %jit3A : i32 to vector<128x128xi32>
      %select_n3A = arith.select %eq3A_13, %add3A, %broadcast_in_dim3A : vector<128x128xi1>, vector<128x128xi32>
      %ne3A = arith.constant 0 : i32
      %ne3A_14 = vector.broadcast %ne3A : i32 to vector<128x128xi32>
      %ne3A_15 = arith.cmpi ne, %get3A_7, %ne3A_14 : vector<128x128xi32>
      %jit3A_16 = arith.constant -1 : i32
      %broadcast_in_dim3A_17 = vector.broadcast %jit3A_16 : i32 to vector<128x128xi32>
      %select_n3A_18 = arith.select %ne3A_15, %add3A, %broadcast_in_dim3A_17 : vector<128x128xi1>, vector<128x128xi32>
      %broadcast_in_dim3A_19 = arith.constant -1 : i32
      %broadcast_in_dim3A_20 = vector.broadcast %broadcast_in_dim3A_19 : i32 to vector<128x1xi32>
      %slice3A = vector.extract_strided_slice %select_n3A {offsets = [0, 0], sizes = [128, 127], strides = [1, 1]} : vector<128x128xi32> to vector<128x127xi32>
      %concatenate3A = tpu.concatenate %broadcast_in_dim3A_20, %slice3A in 1 : vector<128x1xi32>, vector<128x127xi32> -> vector<128x128xi32>
      %max3A = arith.maxsi %select_n3A, %concatenate3A : vector<128x128xi32>
      %broadcast_in_dim3A_21 = arith.constant -1 : i32
      %broadcast_in_dim3A_22 = vector.broadcast %broadcast_in_dim3A_21 : i32 to vector<128x1xi32>
      %slice3A_23 = vector.extract_strided_slice %select_n3A_18 {offsets = [0, 0], sizes = [128, 127], strides = [1, 1]} : vector<128x128xi32> to vector<128x127xi32>
      %concatenate3A_24 = tpu.concatenate %broadcast_in_dim3A_22, %slice3A_23 in 1 : vector<128x1xi32>, vector<128x127xi32> -> vector<128x128xi32>
      %max3A_25 = arith.maxsi %select_n3A_18, %concatenate3A_24 : vector<128x128xi32>
      %broadcast_in_dim3A_26 = arith.constant -1 : i32
      %broadcast_in_dim3A_27 = vector.broadcast %broadcast_in_dim3A_26 : i32 to vector<128x2xi32>
      %slice3A_28 = vector.extract_strided_slice %max3A {offsets = [0, 0], sizes = [128, 126], strides = [1, 1]} : vector<128x128xi32> to vector<128x126xi32>
      %concatenate3A_29 = tpu.concatenate %broadcast_in_dim3A_27, %slice3A_28 in 1 : vector<128x2xi32>, vector<128x126xi32> -> vector<128x128xi32>
      %max3A_30 = arith.maxsi %max3A, %concatenate3A_29 : vector<128x128xi32>
      %broadcast_in_dim3A_31 = arith.constant -1 : i32
      %broadcast_in_dim3A_32 = vector.broadcast %broadcast_in_dim3A_31 : i32 to vector<128x2xi32>
      %slice3A_33 = vector.extract_strided_slice %max3A_25 {offsets = [0, 0], sizes = [128, 126], strides = [1, 1]} : vector<128x128xi32> to vector<128x126xi32>
      %concatenate3A_34 = tpu.concatenate %broadcast_in_dim3A_32, %slice3A_33 in 1 : vector<128x2xi32>, vector<128x126xi32> -> vector<128x128xi32>
      %max3A_35 = arith.maxsi %max3A_25, %concatenate3A_34 : vector<128x128xi32>
      %broadcast_in_dim3A_36 = arith.constant -1 : i32
      %broadcast_in_dim3A_37 = vector.broadcast %broadcast_in_dim3A_36 : i32 to vector<128x4xi32>
      %slice3A_38 = vector.extract_strided_slice %max3A_30 {offsets = [0, 0], sizes = [128, 124], strides = [1, 1]} : vector<128x128xi32> to vector<128x124xi32>
      %concatenate3A_39 = tpu.concatenate %broadcast_in_dim3A_37, %slice3A_38 in 1 : vector<128x4xi32>, vector<128x124xi32> -> vector<128x128xi32>
      %max3A_40 = arith.maxsi %max3A_30, %concatenate3A_39 : vector<128x128xi32>
      %broadcast_in_dim3A_41 = arith.constant -1 : i32
      %broadcast_in_dim3A_42 = vector.broadcast %broadcast_in_dim3A_41 : i32 to vector<128x4xi32>
      %slice3A_43 = vector.extract_strided_slice %max3A_35 {offsets = [0, 0], sizes = [128, 124], strides = [1, 1]} : vector<128x128xi32> to vector<128x124xi32>
      %concatenate3A_44 = tpu.concatenate %broadcast_in_dim3A_42, %slice3A_43 in 1 : vector<128x4xi32>, vector<128x124xi32> -> vector<128x128xi32>
      %max3A_45 = arith.maxsi %max3A_35, %concatenate3A_44 : vector<128x128xi32>
      %broadcast_in_dim3A_46 = arith.constant -1 : i32
      %broadcast_in_dim3A_47 = vector.broadcast %broadcast_in_dim3A_46 : i32 to vector<128x8xi32>
      %slice3A_48 = vector.extract_strided_slice %max3A_40 {offsets = [0, 0], sizes = [128, 120], strides = [1, 1]} : vector<128x128xi32> to vector<128x120xi32>
      %concatenate3A_49 = tpu.concatenate %broadcast_in_dim3A_47, %slice3A_48 in 1 : vector<128x8xi32>, vector<128x120xi32> -> vector<128x128xi32>
      %max3A_50 = arith.maxsi %max3A_40, %concatenate3A_49 : vector<128x128xi32>
      %broadcast_in_dim3A_51 = arith.constant -1 : i32
      %broadcast_in_dim3A_52 = vector.broadcast %broadcast_in_dim3A_51 : i32 to vector<128x8xi32>
      %slice3A_53 = vector.extract_strided_slice %max3A_45 {offsets = [0, 0], sizes = [128, 120], strides = [1, 1]} : vector<128x128xi32> to vector<128x120xi32>
      %concatenate3A_54 = tpu.concatenate %broadcast_in_dim3A_52, %slice3A_53 in 1 : vector<128x8xi32>, vector<128x120xi32> -> vector<128x128xi32>
      %max3A_55 = arith.maxsi %max3A_45, %concatenate3A_54 : vector<128x128xi32>
      %broadcast_in_dim3A_56 = arith.constant -1 : i32
      %broadcast_in_dim3A_57 = vector.broadcast %broadcast_in_dim3A_56 : i32 to vector<128x16xi32>
      %slice3A_58 = vector.extract_strided_slice %max3A_50 {offsets = [0, 0], sizes = [128, 112], strides = [1, 1]} : vector<128x128xi32> to vector<128x112xi32>
      %concatenate3A_59 = tpu.concatenate %broadcast_in_dim3A_57, %slice3A_58 in 1 : vector<128x16xi32>, vector<128x112xi32> -> vector<128x128xi32>
      %max3A_60 = arith.maxsi %max3A_50, %concatenate3A_59 : vector<128x128xi32>
      %broadcast_in_dim3A_61 = arith.constant -1 : i32
      %broadcast_in_dim3A_62 = vector.broadcast %broadcast_in_dim3A_61 : i32 to vector<128x16xi32>
      %slice3A_63 = vector.extract_strided_slice %max3A_55 {offsets = [0, 0], sizes = [128, 112], strides = [1, 1]} : vector<128x128xi32> to vector<128x112xi32>
      %concatenate3A_64 = tpu.concatenate %broadcast_in_dim3A_62, %slice3A_63 in 1 : vector<128x16xi32>, vector<128x112xi32> -> vector<128x128xi32>
      %max3A_65 = arith.maxsi %max3A_55, %concatenate3A_64 : vector<128x128xi32>
      %broadcast_in_dim3A_66 = arith.constant -1 : i32
      %broadcast_in_dim3A_67 = vector.broadcast %broadcast_in_dim3A_66 : i32 to vector<128x32xi32>
      %slice3A_68 = vector.extract_strided_slice %max3A_60 {offsets = [0, 0], sizes = [128, 96], strides = [1, 1]} : vector<128x128xi32> to vector<128x96xi32>
      %concatenate3A_69 = tpu.concatenate %broadcast_in_dim3A_67, %slice3A_68 in 1 : vector<128x32xi32>, vector<128x96xi32> -> vector<128x128xi32>
      %max3A_70 = arith.maxsi %max3A_60, %concatenate3A_69 : vector<128x128xi32>
      %broadcast_in_dim3A_71 = arith.constant -1 : i32
      %broadcast_in_dim3A_72 = vector.broadcast %broadcast_in_dim3A_71 : i32 to vector<128x32xi32>
      %slice3A_73 = vector.extract_strided_slice %max3A_65 {offsets = [0, 0], sizes = [128, 96], strides = [1, 1]} : vector<128x128xi32> to vector<128x96xi32>
      %concatenate3A_74 = tpu.concatenate %broadcast_in_dim3A_72, %slice3A_73 in 1 : vector<128x32xi32>, vector<128x96xi32> -> vector<128x128xi32>
      %max3A_75 = arith.maxsi %max3A_65, %concatenate3A_74 : vector<128x128xi32>
      %broadcast_in_dim3A_76 = arith.constant -1 : i32
      %broadcast_in_dim3A_77 = vector.broadcast %broadcast_in_dim3A_76 : i32 to vector<128x64xi32>
      %slice3A_78 = vector.extract_strided_slice %max3A_70 {offsets = [0, 0], sizes = [128, 64], strides = [1, 1]} : vector<128x128xi32> to vector<128x64xi32>
      %concatenate3A_79 = tpu.concatenate %broadcast_in_dim3A_77, %slice3A_78 in 1 : vector<128x64xi32>, vector<128x64xi32> -> vector<128x128xi32>
      %max3A_80 = arith.maxsi %max3A_70, %concatenate3A_79 : vector<128x128xi32>
      %broadcast_in_dim3A_81 = arith.constant -1 : i32
      %broadcast_in_dim3A_82 = vector.broadcast %broadcast_in_dim3A_81 : i32 to vector<128x64xi32>
      %slice3A_83 = vector.extract_strided_slice %max3A_75 {offsets = [0, 0], sizes = [128, 64], strides = [1, 1]} : vector<128x128xi32> to vector<128x64xi32>
      %concatenate3A_84 = tpu.concatenate %broadcast_in_dim3A_82, %slice3A_83 in 1 : vector<128x64xi32>, vector<128x64xi32> -> vector<128x128xi32>
      %max3A_85 = arith.maxsi %max3A_75, %concatenate3A_84 : vector<128x128xi32>
      %slice3A_86 = vector.extract_strided_slice %max3A_80 {offsets = [0, 127], sizes = [128, 1], strides = [1, 1]} : vector<128x128xi32> to vector<128x1xi32>
      %broadcast_in_dim3A_87 = arith.constant -1 : i32
      %broadcast_in_dim3A_88 = vector.broadcast %broadcast_in_dim3A_87 : i32 to vector<1x1xi32>
      %slice3A_89 = vector.extract_strided_slice %slice3A_86 {offsets = [0, 0], sizes = [127, 1], strides = [1, 1]} : vector<128x1xi32> to vector<127x1xi32>
      %concatenate3A_90 = tpu.concatenate %broadcast_in_dim3A_88, %slice3A_89 in 0 : vector<1x1xi32>, vector<127x1xi32> -> vector<128x1xi32>
      %slice3A_91 = vector.extract_strided_slice %max3A_85 {offsets = [0, 127], sizes = [128, 1], strides = [1, 1]} : vector<128x128xi32> to vector<128x1xi32>
      %broadcast_in_dim3A_92 = arith.constant -1 : i32
      %broadcast_in_dim3A_93 = vector.broadcast %broadcast_in_dim3A_92 : i32 to vector<1x1xi32>
      %slice3A_94 = vector.extract_strided_slice %slice3A_91 {offsets = [0, 0], sizes = [127, 1], strides = [1, 1]} : vector<128x1xi32> to vector<127x1xi32>
      %concatenate3A_95 = tpu.concatenate %broadcast_in_dim3A_93, %slice3A_94 in 0 : vector<1x1xi32>, vector<127x1xi32> -> vector<128x1xi32>
      %broadcast_in_dim3A_96 = arith.constant -1 : i32
      %broadcast_in_dim3A_97 = vector.broadcast %broadcast_in_dim3A_96 : i32 to vector<1x1xi32>
      %slice3A_98 = vector.extract_strided_slice %concatenate3A_90 {offsets = [0, 0], sizes = [127, 1], strides = [1, 1]} : vector<128x1xi32> to vector<127x1xi32>
      %concatenate3A_99 = tpu.concatenate %broadcast_in_dim3A_97, %slice3A_98 in 0 : vector<1x1xi32>, vector<127x1xi32> -> vector<128x1xi32>
      %max3A_100 = arith.maxsi %concatenate3A_90, %concatenate3A_99 : vector<128x1xi32>
      %broadcast_in_dim3A_101 = arith.constant -1 : i32
      %broadcast_in_dim3A_102 = vector.broadcast %broadcast_in_dim3A_101 : i32 to vector<1x1xi32>
      %slice3A_103 = vector.extract_strided_slice %concatenate3A_95 {offsets = [0, 0], sizes = [127, 1], strides = [1, 1]} : vector<128x1xi32> to vector<127x1xi32>
      %concatenate3A_104 = tpu.concatenate %broadcast_in_dim3A_102, %slice3A_103 in 0 : vector<1x1xi32>, vector<127x1xi32> -> vector<128x1xi32>
      %max3A_105 = arith.maxsi %concatenate3A_95, %concatenate3A_104 : vector<128x1xi32>
      %broadcast_in_dim3A_106 = arith.constant -1 : i32
      %broadcast_in_dim3A_107 = vector.broadcast %broadcast_in_dim3A_106 : i32 to vector<2x1xi32>
      %slice3A_108 = vector.extract_strided_slice %max3A_100 {offsets = [0, 0], sizes = [126, 1], strides = [1, 1]} : vector<128x1xi32> to vector<126x1xi32>
      %concatenate3A_109 = tpu.concatenate %broadcast_in_dim3A_107, %slice3A_108 in 0 : vector<2x1xi32>, vector<126x1xi32> -> vector<128x1xi32>
      %max3A_110 = arith.maxsi %max3A_100, %concatenate3A_109 : vector<128x1xi32>
      %broadcast_in_dim3A_111 = arith.constant -1 : i32
      %broadcast_in_dim3A_112 = vector.broadcast %broadcast_in_dim3A_111 : i32 to vector<2x1xi32>
      %slice3A_113 = vector.extract_strided_slice %max3A_105 {offsets = [0, 0], sizes = [126, 1], strides = [1, 1]} : vector<128x1xi32> to vector<126x1xi32>
      %concatenate3A_114 = tpu.concatenate %broadcast_in_dim3A_112, %slice3A_113 in 0 : vector<2x1xi32>, vector<126x1xi32> -> vector<128x1xi32>
      %max3A_115 = arith.maxsi %max3A_105, %concatenate3A_114 : vector<128x1xi32>
      %broadcast_in_dim3A_116 = arith.constant -1 : i32
      %broadcast_in_dim3A_117 = vector.broadcast %broadcast_in_dim3A_116 : i32 to vector<4x1xi32>
      %slice3A_118 = vector.extract_strided_slice %max3A_110 {offsets = [0, 0], sizes = [124, 1], strides = [1, 1]} : vector<128x1xi32> to vector<124x1xi32>
      %concatenate3A_119 = tpu.concatenate %broadcast_in_dim3A_117, %slice3A_118 in 0 : vector<4x1xi32>, vector<124x1xi32> -> vector<128x1xi32>
      %max3A_120 = arith.maxsi %max3A_110, %concatenate3A_119 : vector<128x1xi32>
      %broadcast_in_dim3A_121 = arith.constant -1 : i32
      %broadcast_in_dim3A_122 = vector.broadcast %broadcast_in_dim3A_121 : i32 to vector<4x1xi32>
      %slice3A_123 = vector.extract_strided_slice %max3A_115 {offsets = [0, 0], sizes = [124, 1], strides = [1, 1]} : vector<128x1xi32> to vector<124x1xi32>
      %concatenate3A_124 = tpu.concatenate %broadcast_in_dim3A_122, %slice3A_123 in 0 : vector<4x1xi32>, vector<124x1xi32> -> vector<128x1xi32>
      %max3A_125 = arith.maxsi %max3A_115, %concatenate3A_124 : vector<128x1xi32>
      %broadcast_in_dim3A_126 = arith.constant -1 : i32
      %broadcast_in_dim3A_127 = vector.broadcast %broadcast_in_dim3A_126 : i32 to vector<8x1xi32>
      %slice3A_128 = vector.extract_strided_slice %max3A_120 {offsets = [0, 0], sizes = [120, 1], strides = [1, 1]} : vector<128x1xi32> to vector<120x1xi32>
      %concatenate3A_129 = tpu.concatenate %broadcast_in_dim3A_127, %slice3A_128 in 0 : vector<8x1xi32>, vector<120x1xi32> -> vector<128x1xi32>
      %max3A_130 = arith.maxsi %max3A_120, %concatenate3A_129 : vector<128x1xi32>
      %broadcast_in_dim3A_131 = arith.constant -1 : i32
      %broadcast_in_dim3A_132 = vector.broadcast %broadcast_in_dim3A_131 : i32 to vector<8x1xi32>
      %slice3A_133 = vector.extract_strided_slice %max3A_125 {offsets = [0, 0], sizes = [120, 1], strides = [1, 1]} : vector<128x1xi32> to vector<120x1xi32>
      %concatenate3A_134 = tpu.concatenate %broadcast_in_dim3A_132, %slice3A_133 in 0 : vector<8x1xi32>, vector<120x1xi32> -> vector<128x1xi32>
      %max3A_135 = arith.maxsi %max3A_125, %concatenate3A_134 : vector<128x1xi32>
      %broadcast_in_dim3A_136 = arith.constant -1 : i32
      %broadcast_in_dim3A_137 = vector.broadcast %broadcast_in_dim3A_136 : i32 to vector<16x1xi32>
      %slice3A_138 = vector.extract_strided_slice %max3A_130 {offsets = [0, 0], sizes = [112, 1], strides = [1, 1]} : vector<128x1xi32> to vector<112x1xi32>
      %concatenate3A_139 = tpu.concatenate %broadcast_in_dim3A_137, %slice3A_138 in 0 : vector<16x1xi32>, vector<112x1xi32> -> vector<128x1xi32>
      %max3A_140 = arith.maxsi %max3A_130, %concatenate3A_139 : vector<128x1xi32>
      %broadcast_in_dim3A_141 = arith.constant -1 : i32
      %broadcast_in_dim3A_142 = vector.broadcast %broadcast_in_dim3A_141 : i32 to vector<16x1xi32>
      %slice3A_143 = vector.extract_strided_slice %max3A_135 {offsets = [0, 0], sizes = [112, 1], strides = [1, 1]} : vector<128x1xi32> to vector<112x1xi32>
      %concatenate3A_144 = tpu.concatenate %broadcast_in_dim3A_142, %slice3A_143 in 0 : vector<16x1xi32>, vector<112x1xi32> -> vector<128x1xi32>
      %max3A_145 = arith.maxsi %max3A_135, %concatenate3A_144 : vector<128x1xi32>
      %broadcast_in_dim3A_146 = arith.constant -1 : i32
      %broadcast_in_dim3A_147 = vector.broadcast %broadcast_in_dim3A_146 : i32 to vector<32x1xi32>
      %slice3A_148 = vector.extract_strided_slice %max3A_140 {offsets = [0, 0], sizes = [96, 1], strides = [1, 1]} : vector<128x1xi32> to vector<96x1xi32>
      %concatenate3A_149 = tpu.concatenate %broadcast_in_dim3A_147, %slice3A_148 in 0 : vector<32x1xi32>, vector<96x1xi32> -> vector<128x1xi32>
      %max3A_150 = arith.maxsi %max3A_140, %concatenate3A_149 : vector<128x1xi32>
      %broadcast_in_dim3A_151 = arith.constant -1 : i32
      %broadcast_in_dim3A_152 = vector.broadcast %broadcast_in_dim3A_151 : i32 to vector<32x1xi32>
      %slice3A_153 = vector.extract_strided_slice %max3A_145 {offsets = [0, 0], sizes = [96, 1], strides = [1, 1]} : vector<128x1xi32> to vector<96x1xi32>
      %concatenate3A_154 = tpu.concatenate %broadcast_in_dim3A_152, %slice3A_153 in 0 : vector<32x1xi32>, vector<96x1xi32> -> vector<128x1xi32>
      %max3A_155 = arith.maxsi %max3A_145, %concatenate3A_154 : vector<128x1xi32>
      %broadcast_in_dim3A_156 = arith.constant -1 : i32
      %broadcast_in_dim3A_157 = vector.broadcast %broadcast_in_dim3A_156 : i32 to vector<64x1xi32>
      %slice3A_158 = vector.extract_strided_slice %max3A_150 {offsets = [0, 0], sizes = [64, 1], strides = [1, 1]} : vector<128x1xi32> to vector<64x1xi32>
      %concatenate3A_159 = tpu.concatenate %broadcast_in_dim3A_157, %slice3A_158 in 0 : vector<64x1xi32>, vector<64x1xi32> -> vector<128x1xi32>
      %max3A_160 = arith.maxsi %max3A_150, %concatenate3A_159 : vector<128x1xi32>
      %broadcast_in_dim3A_161 = arith.constant -1 : i32
      %broadcast_in_dim3A_162 = vector.broadcast %broadcast_in_dim3A_161 : i32 to vector<64x1xi32>
      %slice3A_163 = vector.extract_strided_slice %max3A_155 {offsets = [0, 0], sizes = [64, 1], strides = [1, 1]} : vector<128x1xi32> to vector<64x1xi32>
      %concatenate3A_164 = tpu.concatenate %broadcast_in_dim3A_162, %slice3A_163 in 0 : vector<64x1xi32>, vector<64x1xi32> -> vector<128x1xi32>
      %max3A_165 = arith.maxsi %max3A_155, %concatenate3A_164 : vector<128x1xi32>
      %broadcast_in_dim3A_166 = arith.constant -1 : i32
      %broadcast_in_dim3A_167 = vector.broadcast %broadcast_in_dim3A_166 : i32 to vector<128x1xi32>
      %slice3A_168 = vector.extract_strided_slice %max3A_80 {offsets = [0, 0], sizes = [128, 127], strides = [1, 1]} : vector<128x128xi32> to vector<128x127xi32>
      %concatenate3A_169 = tpu.concatenate %broadcast_in_dim3A_167, %slice3A_168 in 1 : vector<128x1xi32>, vector<128x127xi32> -> vector<128x128xi32>
      %max3A_170 = vector.broadcast %max3A_160 : vector<128x1xi32> to vector<128x128xi32>
      %max3A_171 = arith.maxsi %concatenate3A_169, %max3A_170 : vector<128x128xi32>
      %broadcast_in_dim3A_172 = arith.constant -1 : i32
      %broadcast_in_dim3A_173 = vector.broadcast %broadcast_in_dim3A_172 : i32 to vector<128x1xi32>
      %slice3A_174 = vector.extract_strided_slice %max3A_85 {offsets = [0, 0], sizes = [128, 127], strides = [1, 1]} : vector<128x128xi32> to vector<128x127xi32>
      %concatenate3A_175 = tpu.concatenate %broadcast_in_dim3A_173, %slice3A_174 in 1 : vector<128x1xi32>, vector<128x127xi32> -> vector<128x128xi32>
      %max3A_176 = vector.broadcast %max3A_165 : vector<128x1xi32> to vector<128x128xi32>
      %max3A_177 = arith.maxsi %concatenate3A_175, %max3A_176 : vector<128x128xi32>
      %eq3A_178 = arith.constant 0 : i32
      %eq3A_179 = vector.broadcast %eq3A_178 : i32 to vector<128x128xi32>
      %eq3A_180 = arith.cmpi eq, %get3A_7, %eq3A_179 : vector<128x128xi32>
      %select_n3A_181 = arith.select %eq3A_180, %max3A_171, %max3A_177 : vector<128x128xi1>, vector<128x128xi32>
      %ge3A = arith.constant 0 : i32
      %ge3A_182 = vector.broadcast %ge3A : i32 to vector<128x128xi32>
      %ge3A_183 = arith.cmpi sge, %select_n3A_181, %ge3A_182 : vector<128x128xi32>
      %reduce_sum3A = vector.shape_cast %get3A_7 : vector<128x128xi32> to vector<1x128x128xi32>
      %reduce_sum3A_184 = arith.constant dense<0> : vector<1xi32>
      %reduce_sum3A_185 = vector.multi_reduction <add>, %reduce_sum3A, %reduce_sum3A_184 [1, 2] : vector<1x128x128xi32> to vector<1xi32>
      %reduce_sum3A_186 = vector.shape_cast %reduce_sum3A_185 : vector<1xi32> to vector<1x1x1xi32>
      %reduce_sum3A_187 = vector.extract %reduce_sum3A_186[0, 0, 0] : i32 from vector<1x1x1xi32>
      %sub3A = arith.constant 16384 : i32
      %sub3A_188 = arith.subi %sub3A, %reduce_sum3A_187 : i32
      %max3A_189 = arith.constant 1 : i32
      %max3A_190 = arith.maxsi %sub3A_188, %max3A_189 : i32
      %convert_element_type3A_191 = arith.sitofp %max3A_190 : i32 to f32
      %div3A = arith.constant 1.270000e+02 : f32
      %div3A_192 = arith.divf %div3A, %convert_element_type3A_191 : f32
      %max3A_193 = arith.constant 1 : i32
      %max3A_194 = arith.maxsi %reduce_sum3A_187, %max3A_193 : i32
      %convert_element_type3A_195 = arith.sitofp %max3A_194 : i32 to f32
      %div3A_196 = arith.constant 1.270000e+02 : f32
      %div3A_197 = arith.divf %div3A_196, %convert_element_type3A_195 : f32
      %eq3A_198 = arith.constant 0 : i32
      %eq3A_199 = vector.broadcast %eq3A_198 : i32 to vector<128x128xi32>
      %eq3A_200 = arith.cmpi eq, %get3A_7, %eq3A_199 : vector<128x128xi32>
      %neg3A = arith.constant 0.000000e+00 : f32
      %neg3A_201 = arith.subf %neg3A, %div3A_197 : f32
      %broadcast_in_dim3A_202 = vector.broadcast %div3A_192 : f32 to vector<128x128xf32>
      %broadcast_in_dim3A_203 = vector.broadcast %neg3A_201 : f32 to vector<128x128xf32>
      %select_n3A_204 = arith.select %eq3A_200, %broadcast_in_dim3A_202, %broadcast_in_dim3A_203 : vector<128x128xi1>, vector<128x128xf32>
      %jit3A_205 = arith.constant 0.000000e+00 : f32
      %broadcast_in_dim3A_206 = vector.broadcast %jit3A_205 : f32 to vector<128x128xf32>
      %select_n3A_207 = arith.select %ge3A_183, %select_n3A_204, %broadcast_in_dim3A_206 : vector<128x128xi1>, vector<128x128xf32>
      %max3A_208 = arith.constant 0 : i32
      %max3A_209 = vector.broadcast %max3A_208 : i32 to vector<128x128xi32>
      %max3A_210 = arith.maxsi %select_n3A_181, %max3A_209 : vector<128x128xi32>
      %swap3A = arith.constant 0 : index
      %swap3A_211 = arith.constant 0 : index
      %swap3A_212 = vector.load %arg3[%swap3A, %swap3A_211] : memref<128x128xi32, #tpu.memory_space<vmem>>, vector<128x128xi32>
      tpu.vector_store %arg3[%swap3A, %swap3A_211], %max3A_210 {strides = array<i32>} : memref<128x128xi32, #tpu.memory_space<vmem>>, vector<128x128xi32>,
      %swap3A_213 = arith.constant 0 : index
      %swap3A_214 = arith.constant 0 : index
      %swap3A_215 = vector.load %arg6[%swap3A_213, %swap3A_214] : memref<128x128xf32, #tpu.memory_space<vmem>>, vector<128x128xf32>
      tpu.vector_store %arg6[%swap3A_213, %swap3A_214], %select_n3A_207 {strides = array<i32>} : memref<128x128xf32, #tpu.memory_space<vmem>>, vector<128x128xf32>,
    } else {
    }
    %gt3A = arith.constant 0 : i32
    %gt3A_2 = arith.cmpi sgt, %arg0, %gt3A : i32
    %convert_element_type3A_3 = arith.extui %gt3A_2 : i1 to i32
    %cond3A_4 = arith.constant 0 : i32
    %cond3A_5 = arith.cmpi ne, %convert_element_type3A_3, %cond3A_4 : i32
    scf.if %cond3A_5 {
      %get3A = arith.constant 0 : index
      %get3A_6 = arith.constant 0 : index
      %get3A_7 = arith.constant 0 : index
      %get3A_8 = vector.load %arg2[%get3A, %get3A_6, %get3A_7] : memref<16x128x128xf32, #tpu.memory_space<vmem>>, vector<16x128x128xf32>
      %sub3A = arith.constant 1 : i32
      %sub3A_9 = arith.subi %arg0, %sub3A : i32
      %mul3A = arith.constant 16 : i32
      %mul3A_10 = arith.muli %sub3A_9, %mul3A : i32
      %get3A_11 = arith.index_cast %mul3A_10 : i32 to index
      %get3A_12 = arith.constant 0 : index
      %get3A_13 = vector.load %arg6[%get3A_11, %get3A_12] : memref<128x128xf32, #tpu.memory_space<vmem>>, vector<16x128xf32>
      %reduce_sum3A = arith.constant dense<0.000000e+00> : vector<16x128xf32>
      %reduce_sum3A_14 = vector.multi_reduction <add>, %get3A_8, %reduce_sum3A [2] : vector<16x128x128xf32> to vector<16x128xf32>
      %broadcast_in_dim3A = vector.shape_cast %reduce_sum3A_14 : vector<16x128xf32> to vector<16x128x1xf32>
      %div3A = arith.constant 1.280000e+02 : f32
      %div3A_15 = vector.broadcast %div3A : f32 to vector<16x128x1xf32>
      %div3A_16 = arith.divf %broadcast_in_dim3A, %div3A_15 : vector<16x128x1xf32>
      %sub3A_17 = vector.broadcast %div3A_16 : vector<16x128x1xf32> to vector<16x128x128xf32>
      %sub3A_18 = arith.subf %get3A_8, %sub3A_17 : vector<16x128x128xf32>
      %mul3A_19 = arith.mulf %sub3A_18, %sub3A_18 : vector<16x128x128xf32>
      %reduce_sum3A_20 = arith.constant dense<0.000000e+00> : vector<16x128xf32>
      %reduce_sum3A_21 = vector.multi_reduction <add>, %mul3A_19, %reduce_sum3A_20 [2] : vector<16x128x128xf32> to vector<16x128xf32>
      %broadcast_in_dim3A_22 = vector.shape_cast %reduce_sum3A_21 : vector<16x128xf32> to vector<16x128x1xf32>
      %rsqrt3A = math.rsqrt %broadcast_in_dim3A_22 : vector<16x128x1xf32>
      %mul3A_23 = vector.broadcast %rsqrt3A : vector<16x128x1xf32> to vector<16x128x128xf32>
      %mul3A_24 = arith.mulf %sub3A_18, %mul3A_23 : vector<16x128x128xf32>
      %swap3A = arith.constant 0 : index
      %swap3A_25 = arith.constant 0 : index
      %swap3A_26 = arith.constant 0 : index
      %swap3A_27 = vector.load %arg4[%swap3A, %swap3A_25, %swap3A_26] : memref<16x128x128xf32, #tpu.memory_space<vmem>>, vector<16x128x128xf32>
      tpu.vector_store %arg4[%swap3A, %swap3A_25, %swap3A_26], %mul3A_24 {strides = array<i32>} : memref<16x128x128xf32, #tpu.memory_space<vmem>>, vector<16x128x128xf32>,
      %broadcast_in_dim3A_28 = vector.shape_cast %get3A_13 : vector<16x128xf32> to vector<16x128x1xf32>
      %mul3A_29 = vector.broadcast %broadcast_in_dim3A_28 : vector<16x128x1xf32> to vector<16x128x128xf32>
      %mul3A_30 = arith.mulf %mul3A_24, %mul3A_29 : vector<16x128x128xf32>
      %swap3A_31 = arith.constant 0 : index
      %swap3A_32 = arith.constant 0 : index
      %swap3A_33 = arith.constant 0 : index
      %swap3A_34 = vector.load %arg5[%swap3A_31, %swap3A_32, %swap3A_33] : memref<16x128x128xf32, #tpu.memory_space<vmem>>, vector<16x128x128xf32>
      tpu.vector_store %arg5[%swap3A_31, %swap3A_32, %swap3A_33], %mul3A_30 {strides = array<i32>} : memref<16x128x128xf32, #tpu.memory_space<vmem>>, vector<16x128x128xf32>,
    } else {
    }
    return
  }
  func.func @transform_0(%arg0: i32) -> (i32, i32) {
    %c0_i32 = arith.constant 0 : i32
    %c0_i32_0 = arith.constant 0 : i32
    %c0_i32_1 = arith.constant 0 : i32
    return %c0_i32, %c0_i32_0 : i32, i32
  }
  func.func @transform_1(%arg0: i32) -> (i32, i32, i32) {
    %sub3A = arith.constant 1 : i32
    %sub3A_0 = arith.subi %arg0, %sub3A : i32
    %max3A = arith.constant 0 : i32
    %max3A_1 = arith.maxsi %sub3A_0, %max3A : i32
    %c0_i32 = arith.constant 0 : i32
    %c0_i32_2 = arith.constant 0 : i32
    %c0_i32_3 = arith.constant 0 : i32
    return %max3A_1, %c0_i32, %c0_i32_2 : i32, i32, i32
  }
  func.func @transform_2(%arg0: i32) -> (i32, i32) {
    %c0_i32 = arith.constant 0 : i32
    %c0_i32_0 = arith.constant 0 : i32
    %c0_i32_1 = arith.constant 0 : i32
    return %c0_i32, %c0_i32_0 : i32, i32
  }
  func.func @transform_3(%arg0: i32) -> (i32, i32, i32) {
    %sub3A = arith.constant 1 : i32
    %sub3A_0 = arith.subi %arg0, %sub3A : i32
    %max3A = arith.constant 0 : i32
    %max3A_1 = arith.maxsi %sub3A_0, %max3A : i32
    %c0_i32 = arith.constant 0 : i32
    %c0_i32_2 = arith.constant 0 : i32
    %c0_i32_3 = arith.constant 0 : i32
    return %max3A_1, %c0_i32, %c0_i32_2 : i32, i32, i32
  }
  func.func @transform_4(%arg0: i32) -> (i32, i32, i32) {
    %sub3A = arith.constant 1 : i32
    %sub3A_0 = arith.subi %arg0, %sub3A : i32
    %max3A = arith.constant 0 : i32
    %max3A_1 = arith.maxsi %sub3A_0, %max3A : i32
    %c0_i32 = arith.constant 0 : i32
    %c0_i32_2 = arith.constant 0 : i32
    %c0_i32_3 = arith.constant 0 : i32
    return %max3A_1, %c0_i32, %c0_i32_2 : i32, i32, i32
  }
}

module attributes {stable_mosaic.version = 14 : i64} {
  func.func @_final_body(%arg0: memref<32x16xf32, #tpu.memory_space<vmem>>, %arg1: memref<1x1xf32, #tpu.memory_space<vmem>>) attributes {dimension_semantics = [], scalar_prefetch = 0 : i64, scratch_operands = 0 : i64, tpu.core_type = #tpu.core_type<tc>} {
    %get3A = arith.constant 0 : index
    %get3A_0 = arith.constant 0 : index
    %get3A_1 = vector.load %arg0[%get3A, %get3A_0] : memref<32x16xf32, #tpu.memory_space<vmem>>, vector<32x16xf32>
    %reduce_sum3A = vector.shape_cast %get3A_1 : vector<32x16xf32> to vector<1x32x16xf32>
    %reduce_sum3A_2 = arith.constant dense<0.000000e+00> : vector<1xf32>
    %reduce_sum3A_3 = vector.multi_reduction <add>, %reduce_sum3A, %reduce_sum3A_2 [1, 2] : vector<1x32x16xf32> to vector<1xf32>
    %reduce_sum3A_4 = vector.shape_cast %reduce_sum3A_3 : vector<1xf32> to vector<1x1x1xf32>
    %reduce_sum3A_5 = vector.extract %reduce_sum3A_4[0, 0, 0] : f32 from vector<1x1x1xf32>
    %mul3A = arith.mulf %reduce_sum3A_5, %reduce_sum3A_5 : f32
    %broadcast_in_dim3A = vector.broadcast %mul3A : f32 to vector<1x1xf32>
    %swap3A = arith.constant 0 : index
    %swap3A_6 = arith.constant 0 : index
    %swap3A_7 = vector.load %arg1[%swap3A, %swap3A_6] : memref<1x1xf32, #tpu.memory_space<vmem>>, vector<1x1xf32>
    tpu.vector_store %arg1[%swap3A, %swap3A_6], %broadcast_in_dim3A {strides = array<i32>} : memref<1x1xf32, #tpu.memory_space<vmem>>, vector<1x1xf32>,
    return
  }
}

</mosaic_0001>

<sc_bundles>
// kernel: kernel.5.cloned.1.call-start
scs
__scs_entry_jumppad:
0x0: {  	(pc) =	sbr.rel $0x88, $3  }
0x1: {  	(tag) =	ssettag $0x0;
	lr =	simm.s32 $0x1  }
0x2: {  	[smem:$0x3F9F] =	sst lr;
	_ =	strace $0xD0000000  }
0x3: {  	_ = 	snop  }
0x4: {  	_ = 	snop  }
0x5: {  	_ = 	snop  }
0x6: {  	_ = 	snop  }
0x7: {  	_ = 	snop  }
__scs_overlays_trampoline_lowered:
0x8: {  	[smem:$0x3FAE] =	sst s0  }
0x9: {  	[smem:$0x3FAF] =	sst s1  }
0xa: {  	[smem:$0x3FB0] =	sst s2  }
0xb: {  	[smem:$0x3FB1] =	sst s3  }
0xc: {  	[smem:$0x3FB2] =	sst s4  }
0xd: {  	[smem:$0x3FB3] =	sst s5  }
0xe: {  	[smem:$0x3FB4] =	sst s6  }
0xf: {  	[smem:$0x3FB5] =	sst s7  }
0x10: {  	[smem:$0x3FB6] =	sst s8  }
0x11: {  	[smem:$0x3FB7] =	sst s9;
	s0 =	simm.s32 @!p0 $0x0  }
0x12: {  	s1 =	sld [smem:$0x3F9D];
	s0 =	simm.s32 @p0 $0x1  }
0x13: {  	[smem:$0x3FB8] =	sst s0;
	s0 =	simm.s32 @!p1 $0x0  }
0x14: {  	s2 =	sld [smem:$0x3F9C];
	s0 =	simm.s32 @p1 $0x1  }
0x15: {  	[smem:$0x3FB9] =	sst s0;
	s0 =	simm.s32 @!p2 $0x0  }
0x16: {  	s3 =	sld [smem:$0x3FDB];
	s0 =	simm.s32 @p2 $0x1  }
0x17: {  	s4 =	simm.s32 $0x1BF5;
	[smem:$0x3FBB] =	sst s0  }
0x18: {  	s0 =	sld [smem:$0x3F9E];
	_ =	swait.ge [sflag:s4], $0x0  }
0x19: {  	s7 =	sld [smem:$0x3F9F]  }
0x1a: {  	s8 =	sadd.s32 $0xFFFFE003, lr  }
0x1b: {  	s9 =	sadd.s32 $0xFFFFFEF7, lr;
	s5 =	simm.s32 $0xFFFFFFFF;
	p2 =	slt.u32 s8, $0xFFFFF086  }
0x1c: {  	p1 =	slt.u32 s9, $0xF7A;
	s5 =	simm.s32 @!p2 $0x0  }
0x1d: {  	s5 =	simm.s32 @p1 $0x1;
	p0 =	seq.s32 s7, s2  }
0x1e: {  	s7 =	smul.u32 @!p0 $0xF7A, s2;
	p2 =	seq.s32 @!p0 s5, $0x0  }
0x1f: {  	s9 =	smul.u32 $0xF7A, s1;
	s8 =	simm.s32 @!p0 $0x1BF5;
	p2 =	por !p2, p0  }
0x20: {  	[sflag:s8] =	ssyncset.s32 @!p0 $0xFFFFF086;
	s6 =	sadd.s32 @!p0 s3, s7;
	s7 =	simm.s32 @!p0 $0x108  }
0x21: {  	s3 =	sadd.s32 s3, s9;
	s6 =	sadd.s32 @!p0 $0x88, s6;
	s7 =	simm.s32 @p2 $0x1082  }
0x22: {  	[simem:s7], [sflag:s8] =	dma.local @!p0 [hbm:s6], $0xF7A  }
0x23: {  	s9 =	sor.u32 $0xD0000000, s2;
	s6 =	simm.s32 $0x108;
	_ =	swait.ge @!p0 [sflag:s8], $0x0  }
0x24: {  	s3 =	sadd.s32 $0x88, s3;
	s6 =	simm.s32 @!p1 $0x1082;
	[sflag:s4] =	ssyncset.s32 $0xFFFFF086  }
0x25: {  	[simem:s6], [sflag:s4] =	dma.local [hbm:s3], $0xF7A  }
0x26: {  	[smem:$0x3F9F] =	sst s1;
	(tag) =	ssettag s2;
	_ =	strace s9  }
0x27: {  	s1 =	sld [smem:$0x3FAF]  }
0x28: {  	s2 =	sld [smem:$0x3FB0]  }
0x29: {  	s4 =	sld [smem:$0x3FB2]  }
0x2a: {  	p0 =	seq.s32 s5, $0x0;
	s5 =	sld [smem:$0x3FB3]  }
0x2b: {  	s6 =	sld [smem:$0x3FB4]  }
0x2c: {  	s7 =	sld [smem:$0x3FB5]  }
0x2d: {  	s3 =	simm.s32 $0x108;
	s8 =	sld [smem:$0x3FB6]  }
0x2e: {  	s3 =	simm.s32 @!p0 $0x1082;
	s9 =	sld [smem:$0x3FB7]  }
0x2f: {  	lr =	sadd.s32 s0, s3;
	s0 =	sld [smem:$0x3FAE]  }
0x30: {  	s3 =	sld [smem:$0x3FB1]  }
0x31: {  	[smem:$0x3FBA] =	sst s10  }
0x32: {  	s10 =	sld [smem:$0x3FB8];
	_ =	sdelay $0x3  }
0x33: {  	p0 =	seq.s32 s10, $0x1;
	s10 =	sld [smem:$0x3FBA];
	_ =	sdelay $0x3  }
0x34: {  	[smem:$0x3FBA] =	sst s10  }
0x35: {  	s10 =	sld [smem:$0x3FB9];
	_ =	sdelay $0x3  }
0x36: {  	p1 =	seq.s32 s10, $0x1;
	s10 =	sld [smem:$0x3FBA];
	_ =	sdelay $0x3  }
0x37: {  	[smem:$0x3FBA] =	sst s10  }
0x38: {  	s10 =	sld [smem:$0x3FBB]  }
0x39: {  	_ = 	snop;
	(pc) =	sbr.ind lr, $3  }
0x3a: {  	_ = 	snop  }
0x3b: {  	_ = 	snop  }
0x3c: {  	p2 =	seq.s32 s10, $0x1;
	s10 =	sld [smem:$0x3FBA]  }
0x3d: {  	_ =	shalt  }
0x3e: {  	_ =	shalt  }
0x3f: {  	_ =	shalt  }
0x40: {  	_ =	shalt  }
0x41: {  	_ =	shalt  }
0x42: {  	_ =	shalt  }
0x43: {  	_ =	shalt  }
0x44: {  	_ =	shalt  }
0x45: {  	_ =	shalt  }
0x46: {  	_ =	shalt  }
0x47: {  	_ =	shalt  }
0x48: {  	_ =	shalt  }
0x49: {  	_ =	shalt  }
0x4a: {  	_ =	shalt  }
0x4b: {  	_ =	shalt  }
0x4c: {  	_ =	shalt  }
0x4d: {  	_ =	shalt  }
0x4e: {  	_ =	shalt  }
0x4f: {  	_ =	shalt  }
0x50: {  	_ =	shalt  }
0x51: {  	_ =	shalt  }
0x52: {  	_ =	shalt  }
0x53: {  	_ =	shalt  }
0x54: {  	_ =	shalt  }
0x55: {  	_ =	shalt  }
0x56: {  	_ =	shalt  }
0x57: {  	_ =	shalt  }
0x58: {  	_ =	shalt  }
0x59: {  	_ =	shalt  }
0x5a: {  	_ =	shalt  }
0x5b: {  	_ =	shalt  }
0x5c: {  	_ =	shalt  }
0x5d: {  	_ =	shalt  }
0x5e: {  	_ =	shalt  }
0x5f: {  	_ =	shalt  }
0x60: {  	_ =	shalt  }
0x61: {  	_ =	shalt  }
0x62: {  	_ =	shalt  }
0x63: {  	_ =	shalt  }
0x64: {  	_ =	shalt  }
0x65: {  	_ =	shalt  }
0x66: {  	_ =	shalt  }
0x67: {  	_ =	shalt  }
0x68: {  	_ =	shalt  }
0x69: {  	_ =	shalt  }
0x6a: {  	_ =	shalt  }
0x6b: {  	_ =	shalt  }
0x6c: {  	_ =	shalt  }
0x6d: {  	_ =	shalt  }
0x6e: {  	_ =	shalt  }
0x6f: {  	_ =	shalt  }
0x70: {  	_ =	shalt  }
0x71: {  	_ =	shalt  }
0x72: {  	_ =	shalt  }
0x73: {  	_ =	shalt  }
0x74: {  	_ =	shalt  }
0x75: {  	_ =	shalt  }
0x76: {  	_ =	shalt  }
0x77: {  	_ =	shalt  }
0x78: {  	_ =	shalt  }
0x79: {  	_ =	shalt  }
0x7a: {  	_ =	shalt  }
0x7b: {  	_ =	shalt  }
0x7c: {  	_ =	shalt  }
0x7d: {  	_ =	shalt  }
0x7e: {  	_ =	shalt  }
0x7f: {  	_ =	shalt  }
0x80: {  	_ =	shalt  }
0x81: {  	_ =	shalt  }
0x82: {  	_ =	shalt  }
0x83: {  	_ =	shalt  }
0x84: {  	_ =	shalt  }
0x85: {  	_ =	shalt  }
0x86: {  	_ =	shalt  }
0x87: {  	_ =	shalt  }
.Lfunc_end0:
.L_simem_size_0:
called_computation_lowered:
.L_overlay_start_0:
0x88: {  	s2 =	sld [smem:$0x3FD9]  }
0x89: {  	s3 =	sld [smem:$0x3FFE];
	_ =	sdelay $0x1  }
0x8a: {  	s1 =	srdreg.scid  }
0x8b: {  	s0 =	sand.u32 $0x1, s1  }
0x8c: {  	s16 =	sshll.u32 s0, $0xA;
	s2 =	sadd.s32 s3, s2  }
0x8d: {  	s2 =	sadd.s32 s2, s16  }
0x8e: {  	[smem:$0x3FC6] =	sst s2  }
0x8f: {  	_ = 	snop  }
0x90: {  	(tm) =	ssettm $0x1  }
0x91: {  	s17 =	sld [smem:$0x3FFB];
	_ =	sdelay $0x3  }
0x92: {  	_ =	strace s17  }
0x93: {  	s2 =	sld [smem:$0x3FFC];
	_ =	sdelay $0x3  }
0x94: {  	_ =	strace s2  }
0x95: {  	s2 =	sld [smem:$0x3FFD];
	_ =	sdelay $0x3  }
0x96: {  	_ =	strace s2  }
0x97: {  	_ =	strace $0x8FFFFFFF  }
0x98: {  	s18 =	sld [smem:$0x3FDB];
	_ =	sdelay $0x1  }
0x99: {  	s19 =	simm.s32 $_scs_section_size  }
0x9a: {  	s4 =	simm.s32 $_size__tile_overlayer_lowered;
	s5 =	simm.s32 $_tile_overlayer_lowered  }
0x9b: {  	s22 =	simm.s32 $0x1BFF;
	s21 =	sshll.u32 s5, $0x1;
	s2 =	sadd.s32 s19, s18  }
0x9c: {  	s6 =	simm.s32 $0x0;
	s20 =	sshll.u32 s4, $0x1;
	s4 =	sadd.s32 s21, s2  }
0x9d: {  	[timem:s6], [sflag:s22] =	dma.local [hbm:s4], s20  }
0x9e: {  	_ =	swait.ge [sflag:s22], s20  }
0x9f: {  	s3 =	ssub.s32 $0x0, s20;
	[sflag:s22] =	ssyncset.done $0x0  }
0xa0: {  	[sflag:s22] =	ssyncadd.s32 s3;
	_ =	sdelay $0x1  }
0xa1: {  	s23 =	simm.s32 $0x1B8B  }
0xa2: {  	_ =	swait.ge [sflag:s23], $0x1  }
0xa3: {  	[sflag:s23] =	ssyncset.done $0x0  }
0xa4: {  	s25 =	simm.s32 $0x1B8E;
	s24 =	sld [smem:$0x3FFE];
	[sflag:s23] =	ssyncadd.s32 $0xFFFFFFFF  }
0xa5: {  	s26 =	simm.s32 $execute0_lowered;
	[smem:$0x3FD2] =	sst s25  }
0xa6: {  	s4 =	sshll.u32 s26, $0x1;
	_ =	strace $0x80000046;
	[dreg:$0x1] =	wrdreg $0xFFFFFFFF  }
0xa7: {  	s28 =	simm.s32 $_size_execute0_lowered;
	s2 =	sadd.s32 s2, s4;
	[dreg:$0x0] =	wrdreg $0x0  }
0xa8: {  	s4 =	sshll.u32 s28, $0x1;
	[dreg:$0x2] =	wrdreg s2  }
0xa9: {  	[dreg:$0x3] =	wrdreg s4  }
0xaa: {  	[dreg:$0x4] =	wrdreg $0xC0  }
0xab: {  	_ =	task [dreg:s6], $0x5FFFF  }
0xac: {  	[dreg:$0x1] =	wrdreg $0xFFFFFFFF  }
0xad: {  	[dreg:$0x0] =	wrdreg $0x60  }
0xae: {  	[dreg:$0x2] =	wrdreg s24  }
0xaf: {  	[dreg:$0x3] =	wrdreg $0x9  }
0xb0: {  	_ =	task.clear_ibuf [dreg:s6], $0x4FFFF;
	_ =	strace $0x90000046  }
0xb1: {  	s29 =	simm.s32 $0x9;
	_ =	strace $0x80000048  }
0xb2: {  	_ =	swait.ge [sflag:s29], $0x1  }
0xb3: {  	[sflag:s29] =	ssyncadd.s32 $0xFFFFFFFF  }
0xb4: {  	_ =	strace $0x90000048  }
0xb5: {  	_ =	sfence  }
0xb6: {  	s30 =	sld [smem:$0x0];
	_ =	sdelay $0x2  }
0xb7: {  	s31 =	sshll.u32 s1, $0xD;
	s1 =	sshrl.u32 s1, $0x2  }
0xb8: {  	s3 =	sand.u32 $0x4000, s31;
	s1 =	sadd.s32 s1, s30  }
0xb9: {  	s0 =	sor.u32 s3, s0;
	s1 =	sshll.u32 s1, $0x11  }
0xba: {  	s0 =	sor.u32 s1, s0  }
0xbb: {  	s0 =	sadd.s32 $0x8F2B, s0  }
0xbc: {  	[sflag:s0] =	ssyncadd.remote.s32 $0x1  }
0xbd: {  	_ =	sfence.sel $0xFFFF  }
0xbe: {  	[dreg:$0x0] =	wrdreg $0xFFFFFFFF;
	(pc) =	sbr.abs _section_cstart, $3  }
0xbf: {  	[dreg:$0x1] =	wrdreg $0xFFFFFFFF  }
0xc0: {  	_ =	task.clear_ibuf [dreg:s6], $0x2FFFF;
	_ =	strace $0x9FFFFFFF  }
0xc1: {  	(tm) =	ssettm $0x7FFFFFFF  }
tec
execute0_lowered:
.L_overlay_start_1:
0x0: {  	(tag) =	ssettag $0x1  }
0x1: {  	s4 =	rddreg [dreg:$0x0]  }
0x2: {  	s0 =	rddreg [dreg:$0x1];
	s2 =	simm.s32 $0x0;
	s3 =	srdreg.scid  }
0x3: {  	s1 =	stileid.u32;
	s13 =	simm.s32 $0x200;
	s14 =	simm.s32 $0x8200  }
0x4: {  	s15 =	simm.s32 $0x4200;
	s16 =	simm.s32 $0xC200;
	s17 =	simm.s32 $0x1  }
0x5: {  	s18 =	simm.s32 $0x3;
	s19 =	simm.s32 $0x100;
	s20 =	simm.s32 $0x2  }
0x6: {  	s21 =	simm.s32 $0x4;
	s22 =	simm.s32 $0x180;
	s23 =	simm.s32 $0x10200  }
0x7: {  	s24 =	simm.s32 $0x0;
	[smem:$0x7FF] =	sst s2;
	s5 =	sand.u32 $0x1, s3  }
0x8: {  	s28 =	sshll.u32 s1, $0x1;
	s3 =	sadd.s32 $0x1000, s4;
	s10 =	sshll.u32 s1, $0x7  }
0x9: {  	_ =	strace $0x80000047;
	s6 =	sor.u32 s5, s28;
	s8 =	sshll.u32 s5, $0x6  }
0xa: {  	s5 =	ssub.s32 $0x2, s5;
	s7 =	sshll.u32 s6, $0xD;
	s29 =	sadd.s32 s8, s4  }
0xb: {  	s6 =	sshll.u32 s6, $0x4;
	s30 =	sshrl.u32 s5, $0x1;
	s9 =	sadd.s32 s7, s4  }
0xc: {  	s11 =	sadd.s32 s6, s4;
	s12 =	ssub.s32 s5, s30;
	s31 =	sadd.s32 s10, s29  }
0xd: {  	s4 =	sadd.s32 $0x81000, s31;
	s5 =	sadd.s32 $0x41000, s9;
	s6 =	sadd.s32 $0x41800, s9  }
0xe: {  	s7 =	sadd.s32 $0x42000, s9;
	s8 =	sadd.s32 $0x42800, s9;
	s9 =	sadd.s32 $0x81800, s11  }
0xf: {  	s10 =	smax.u32 s12, $0x1;
	s11 =	simm.s32 $0x5;
	s12 =	simm.s32 $0x80  }
.LBB2_1:
0x10: {  	[tilespmem:s2], [sflag:$0x5] =	stream.linear.gather [hbm4b:s4+s2], $0x200, $0x38;
	[tilespmem:$0x10280] =	vst v63  }
0x11: {  	_ =	swait.ge [sflag:s11], $0x200  }
0x12: {  	[sflag:s11] =	ssyncset.done $0x0  }
0x13: {  	[sflag:s11] =	ssyncadd.s32 $0xFFFFFE00  }
0x14: {  	[tilespmem:s13], [sflag:$0x1] =	stream.indirect.gather [hbm4b:s3+s12], $0x80, s2, s12, $0xb8;
	[tilespmem:$0x10280] =	vst v63  }
0x15: {  	_ = 	snop  }
0x16: {  	[tilespmem:s14], [sflag:$0x3] =	stream.linear.gather [hbm4b:s5+s2], $0x4000, $0x38;
	[tilespmem:$0x10280] =	vst v63  }
0x17: {  	_ = 	snop  }
0x18: {  	[tilespmem:s15], [sflag:$0x2] =	stream.indirect.gather [hbm4b:s3+s12], $0x80, s12, s12, $0xb8;
	[tilespmem:$0x10280] =	vst v63  }
0x19: {  	_ = 	snop  }
0x1a: {  	[tilespmem:s16], [sflag:$0x4] =	stream.linear.gather [hbm4b:s6+s2], $0x4000, $0x38;
	[tilespmem:$0x10280] =	vst v63  }
0x1b: {  	_ =	swait.ge [sflag:s17], $0x4000  }
0x1c: {  	[sflag:s17] =	ssyncset.done $0x0  }
0x1d: {  	[sflag:s17] =	ssyncadd.s32 $0xFFFFC000  }
0x1e: {  	_ =	swait.ge [sflag:s18], $0x4000  }
0x1f: {  	[sflag:s18] =	ssyncset.done $0x0  }
0x20: {  	s26 =	simm.s32 $0x0;
	[sflag:s18] =	ssyncadd.s32 $0xFFFFC000  }
0x21: {  	v0 =	vld [tilespmem:s26+$0x200]  }
0x22: {  	v1 =	vld [tilespmem:s26+$0x8200]  }
0x23: {  	v2 =	vld [tilespmem:s26+$0x210]  }
0x24: {  	v3 =	vld [tilespmem:s26+$0x8210]  }
0x25: {  	v4 =	vld [tilespmem:s26+$0x220]  }
0x26: {  	v5 =	vld [tilespmem:s26+$0x8220]  }
0x27: {  	v7 =	vld [tilespmem:s26+$0x8230];
	v0 =	vmul.f32 v1, v0  }
0x28: {  	v6 =	vimm.f32 $0.0e+00;
	v1 =	vld [tilespmem:s26+$0x230]  }
0x29: {  	v8 =	vld [tilespmem:s26+$0x8240];
	v2 =	vmul.f32 v3, v2;
	v0 =	vadd.f32 v0, v6  }
0x2a: {  	v6 =	vld [tilespmem:s26+$0x240]  }
0x2b: {  	v9 =	vld [tilespmem:s26+$0x250];
	v0 =	vadd.f32 v2, v0;
	v2 =	vmul.f32 v5, v4  }
0x2c: {  	v10 =	vld [tilespmem:s26+$0x8250]  }
0x2d: {  	v3 =	vld [tilespmem:s26+$0x8260];
	v1 =	vmul.f32 v7, v1;
	v2 =	vadd.f32 v2, v0  }
0x2e: {  	v0 =	vld [tilespmem:s26+$0x260]  }
0x2f: {  	v4 =	vld [tilespmem:s26+$0x8270];
	v6 =	vmul.f32 v8, v6;
	v5 =	vadd.f32 v1, v2  }
0x30: {  	s25 =	simm.s32 $0x80;
	v1 =	vld [tilespmem:s26+$0x270]  }
0x31: {  	v2 =	vld [tilespmem:s25+$0x200];
	s26 =	simm.s32 $0x400;
	v5 =	vadd.f32 v6, v5;
	v6 =	vmul.f32 v10, v9  }
.LBB2_2:
0x32: {  	p0 =	sne.s32 s26, $0xFE00;
	v7 =	vld [tilespmem:s25+$0x8200]  }
0x33: {  	v8 =	vld [tilespmem:s25+$0x210];
	v5 =	vadd.f32 v6, v5;
	v0 =	vmul.f32 v3, v0  }
0x34: {  	v3 =	vld [tilespmem:s25+$0x8210]  }
0x35: {  	v6 =	vld [tilespmem:s25+$0x220];
	v0 =	vadd.f32 v0, v5;
	v1 =	vmul.f32 v4, v1  }
0x36: {  	v4 =	vld [tilespmem:s25+$0x8220]  }
0x37: {  	v2 =	vmul.f32 v7, v2;
	v5 =	vld [tilespmem:s25+$0x230];
	v0 =	vadd.f32 v1, v0  }
0x38: {  	v1 =	vld [tilespmem:s25+$0x8230]  }
0x39: {  	v0 =	vadd.f32 v2, v0;
	v2 =	vmul.f32 v3, v8;
	v7 =	vld [tilespmem:s25+$0x240]  }
0x3a: {  	v8 =	vld [tilespmem:s25+$0x8240]  }
0x3b: {  	v0 =	vadd.f32 v2, v0;
	v2 =	vmul.f32 v4, v6;
	v6 =	vld [tilespmem:s25+$0x250]  }
0x3c: {  	v9 =	vld [tilespmem:s25+$0x8250]  }
.Ltmp0:
0x3d: {  	v2 =	vadd.f32 v2, v0;
	v1 =	vmul.f32 v1, v5;
	v0 =	vld [tilespmem:s25+$0x260];
	(pc) =	sbr.rel @p0 .LBB2_2-.Ltmp0, $4  }
0x3e: {  	v3 =	vld [tilespmem:s25+$0x8260]  }
0x3f: {  	v5 =	vadd.f32 v1, v2;
	v7 =	vmul.f32 v8, v7;
	v1 =	vld [tilespmem:s25+$0x270]  }
0x40: {  	v4 =	vld [tilespmem:s25+$0x8270];
	s25 =	sshra.s32 s26, $0x2  }
0x41: {  	s26 =	sadd.s32 $0x200, s26;
	v2 =	vld [tilespmem:s25+$0x200];
	v5 =	vadd.f32 v7, v5;
	v6 =	vmul.f32 v9, v6  }
0x42: {  	v7 =	vld [tilespmem:s25+$0x8200]  }
0x43: {  	v8 =	vld [tilespmem:s25+$0x210]  }
0x44: {  	v9 =	vld [tilespmem:s25+$0x8210]  }
0x45: {  	v10 =	vld [tilespmem:s25+$0x220]  }
0x46: {  	v11 =	vld [tilespmem:s25+$0x8220]  }
0x47: {  	v12 =	vld [tilespmem:s25+$0x230]  }
0x48: {  	v13 =	vld [tilespmem:s25+$0x8230]  }
0x49: {  	v14 =	vld [tilespmem:s25+$0x240]  }
0x4a: {  	v15 =	vld [tilespmem:s25+$0x8240]  }
0x4b: {  	v16 =	vld [tilespmem:s25+$0x250];
	v5 =	vadd.f32 v6, v5;
	v0 =	vmul.f32 v3, v0  }
0x4c: {  	v3 =	vld [tilespmem:s25+$0x8250]  }
0x4d: {  	v6 =	vld [tilespmem:s25+$0x260];
	v0 =	vadd.f32 v0, v5;
	v1 =	vmul.f32 v4, v1  }
0x4e: {  	v4 =	vld [tilespmem:s25+$0x8260]  }
0x4f: {  	v5 =	vld [tilespmem:s25+$0x270];
	v2 =	vmul.f32 v7, v2;
	v0 =	vadd.f32 v1, v0  }
0x50: {  	v1 =	vld [tilespmem:s25+$0x8270];
	[tilespmem:s13], [sflag:$0x1] =	stream.indirect.gather [hbm4b:s3+s12], $0x80, s19, s12, $0xb8  }
0x51: {  	s31 =	simm.s32 $0x0;
	v0 =	vadd.f32 v2, v0;
	v2 =	vmul.f32 v9, v8  }
0x52: {  	[tilespmem:s14], [sflag:$0x3] =	stream.linear.gather [hbm4b:s7+s31], $0x4000, $0x38;
	[tilespmem:$0x10280] =	vst v63  }
0x53: {  	_ =	swait.ge [sflag:s20], $0x4000;
	v0 =	vadd.f32 v2, v0;
	v2 =	vmul.f32 v11, v10  }
0x54: {  	[sflag:s20] =	ssyncset.done $0x0  }
0x55: {  	[sflag:s20] =	ssyncadd.s32 $0xFFFFC000;
	v0 =	vadd.f32 v2, v0;
	v2 =	vmul.f32 v13, v12  }
0x56: {  	_ =	swait.ge [sflag:s21], $0x4000  }
0x57: {  	[sflag:s21] =	ssyncset.done $0x0;
	v0 =	vadd.f32 v2, v0;
	v2 =	vmul.f32 v15, v14  }
0x58: {  	s26 =	simm.s32 $0x0;
	[sflag:s21] =	ssyncadd.s32 $0xFFFFC000  }
0x59: {  	v7 =	vld [tilespmem:s26+$0xC200];
	v0 =	vadd.f32 v2, v0;
	v2 =	vmul.f32 v3, v16  }
0x5a: {  	v3 =	vld [tilespmem:s26+$0x4200]  }
0x5b: {  	v0 =	vadd.f32 v2, v0;
	v2 =	vmul.f32 v4, v6;
	v4 =	vld [tilespmem:s26+$0x4210]  }
0x5c: {  	v6 =	vld [tilespmem:s26+$0xC210]  }
0x5d: {  	v1 =	vmul.f32 v1, v5;
	v5 =	vld [tilespmem:s26+$0xC220];
	v0 =	vadd.f32 v2, v0  }
0x5e: {  	v2 =	vld [tilespmem:s26+$0x4220]  }
0x5f: {  	v0 =	vadd.f32 v1, v0;
	v1 =	vmul.f32 v7, v3;
	v3 =	vld [tilespmem:s26+$0x4230]  }
0x60: {  	v7 =	vld [tilespmem:s26+$0xC230]  }
0x61: {  	v0 =	vadd.f32 v1, v0;
	v1 =	vmul.f32 v6, v4;
	v4 =	vld [tilespmem:s26+$0x4240]  }
0x62: {  	v6 =	vld [tilespmem:s26+$0xC240]  }
0x63: {  	v8 =	vld [tilespmem:s26+$0x4250];
	v0 =	vadd.f32 v1, v0;
	v1 =	vmul.f32 v5, v2  }
0x64: {  	v63 =	vld [tilespmem:s26+$0xC250]  }
0x65: {  	v2 =	vmul.f32 v7, v3;
	v3 =	vld [tilespmem:s26+$0xC260];
	v1 =	vadd.f32 v1, v0  }
0x66: {  	v0 =	vld [tilespmem:s26+$0x4260]  }
0x67: {  	v6 =	vmul.f32 v6, v4;
	v4 =	vld [tilespmem:s26+$0xC270];
	v5 =	vadd.f32 v2, v1  }
0x68: {  	s25 =	simm.s32 $0x80;
	v1 =	vld [tilespmem:s26+$0x4270]  }
0x69: {  	v2 =	vld [tilespmem:s25+$0x4200];
	s26 =	simm.s32 $0x400;
	v5 =	vadd.f32 v6, v5;
	v6 =	vmul.f32 v63, v8  }
.LBB2_4:
0x6a: {  	p0 =	sne.s32 s26, $0xFE00;
	v7 =	vld [tilespmem:s25+$0xC200]  }
0x6b: {  	v8 =	vld [tilespmem:s25+$0x4210];
	v5 =	vadd.f32 v6, v5;
	v0 =	vmul.f32 v3, v0  }
0x6c: {  	v3 =	vld [tilespmem:s25+$0xC210]  }
0x6d: {  	v6 =	vld [tilespmem:s25+$0x4220];
	v0 =	vadd.f32 v0, v5;
	v1 =	vmul.f32 v4, v1  }
0x6e: {  	v4 =	vld [tilespmem:s25+$0xC220]  }
0x6f: {  	v2 =	vmul.f32 v7, v2;
	v5 =	vld [tilespmem:s25+$0x4230];
	v0 =	vadd.f32 v1, v0  }
0x70: {  	v1 =	vld [tilespmem:s25+$0xC230]  }
0x71: {  	v0 =	vadd.f32 v2, v0;
	v2 =	vmul.f32 v3, v8;
	v7 =	vld [tilespmem:s25+$0x4240]  }
0x72: {  	v8 =	vld [tilespmem:s25+$0xC240]  }
0x73: {  	v0 =	vadd.f32 v2, v0;
	v2 =	vmul.f32 v4, v6;
	v6 =	vld [tilespmem:s25+$0x4250]  }
0x74: {  	v9 =	vld [tilespmem:s25+$0xC250]  }
.Ltmp1:
0x75: {  	v2 =	vadd.f32 v2, v0;
	v1 =	vmul.f32 v1, v5;
	v0 =	vld [tilespmem:s25+$0x4260];
	(pc) =	sbr.rel @p0 .LBB2_4-.Ltmp1, $4  }
0x76: {  	v3 =	vld [tilespmem:s25+$0xC260]  }
0x77: {  	v5 =	vadd.f32 v1, v2;
	v7 =	vmul.f32 v8, v7;
	v1 =	vld [tilespmem:s25+$0x4270]  }
0x78: {  	v4 =	vld [tilespmem:s25+$0xC270];
	s25 =	sshra.s32 s26, $0x2  }
0x79: {  	s26 =	sadd.s32 $0x200, s26;
	v2 =	vld [tilespmem:s25+$0x4200];
	v5 =	vadd.f32 v7, v5;
	v6 =	vmul.f32 v9, v6  }
0x7a: {  	v7 =	vld [tilespmem:s25+$0xC200]  }
0x7b: {  	v8 =	vld [tilespmem:s25+$0x4210]  }
0x7c: {  	v9 =	vld [tilespmem:s25+$0xC210]  }
0x7d: {  	v10 =	vld [tilespmem:s25+$0x4220]  }
0x7e: {  	v11 =	vld [tilespmem:s25+$0xC220]  }
0x7f: {  	v12 =	vld [tilespmem:s25+$0x4230]  }
0x80: {  	v13 =	vld [tilespmem:s25+$0xC230]  }
0x81: {  	v14 =	vld [tilespmem:s25+$0x4240]  }
0x82: {  	v15 =	vld [tilespmem:s25+$0xC240]  }
0x83: {  	v16 =	vld [tilespmem:s25+$0x4250];
	v5 =	vadd.f32 v6, v5;
	v0 =	vmul.f32 v3, v0  }
0x84: {  	v3 =	vld [tilespmem:s25+$0xC250]  }
0x85: {  	v6 =	vld [tilespmem:s25+$0x4260];
	v0 =	vadd.f32 v0, v5;
	v1 =	vmul.f32 v4, v1  }
0x86: {  	v4 =	vld [tilespmem:s25+$0xC260]  }
0x87: {  	v5 =	vld [tilespmem:s25+$0x4270];
	v2 =	vmul.f32 v7, v2;
	v0 =	vadd.f32 v1, v0  }
0x88: {  	v1 =	vld [tilespmem:s25+$0xC270];
	[tilespmem:s15], [sflag:$0x2] =	stream.indirect.gather [hbm4b:s3+s12], $0x80, s22, s12, $0xb8  }
0x89: {  	s31 =	simm.s32 $0x0;
	v0 =	vadd.f32 v2, v0;
	v2 =	vmul.f32 v9, v8  }
0x8a: {  	[tilespmem:s16], [sflag:$0x4] =	stream.linear.gather [hbm4b:s8+s31], $0x4000, $0x38;
	[tilespmem:$0x10280] =	vst v63  }
0x8b: {  	_ =	swait.ge [sflag:s17], $0x4000;
	v0 =	vadd.f32 v2, v0;
	v2 =	vmul.f32 v11, v10  }
0x8c: {  	[sflag:s17] =	ssyncset.done $0x0  }
0x8d: {  	[sflag:s17] =	ssyncadd.s32 $0xFFFFC000;
	v0 =	vadd.f32 v2, v0;
	v2 =	vmul.f32 v13, v12  }
0x8e: {  	_ =	swait.ge [sflag:s18], $0x4000  }
0x8f: {  	[sflag:s18] =	ssyncset.done $0x0;
	v0 =	vadd.f32 v2, v0;
	v2 =	vmul.f32 v15, v14  }
0x90: {  	s26 =	simm.s32 $0x0;
	[sflag:s18] =	ssyncadd.s32 $0xFFFFC000  }
0x91: {  	v7 =	vld [tilespmem:s26+$0x8200];
	v0 =	vadd.f32 v2, v0;
	v2 =	vmul.f32 v3, v16  }
0x92: {  	v3 =	vld [tilespmem:s26+$0x200]  }
0x93: {  	v0 =	vadd.f32 v2, v0;
	v2 =	vmul.f32 v4, v6;
	v4 =	vld [tilespmem:s26+$0x210]  }
0x94: {  	v6 =	vld [tilespmem:s26+$0x8210]  }
0x95: {  	v1 =	vmul.f32 v1, v5;
	v5 =	vld [tilespmem:s26+$0x8220];
	v0 =	vadd.f32 v2, v0  }
0x96: {  	v2 =	vld [tilespmem:s26+$0x220]  }
0x97: {  	v0 =	vadd.f32 v1, v0;
	v1 =	vmul.f32 v7, v3;
	v3 =	vld [tilespmem:s26+$0x230]  }
0x98: {  	v7 =	vld [tilespmem:s26+$0x8230]  }
0x99: {  	v0 =	vadd.f32 v1, v0;
	v1 =	vmul.f32 v6, v4;
	v4 =	vld [tilespmem:s26+$0x240]  }
0x9a: {  	v6 =	vld [tilespmem:s26+$0x8240]  }
0x9b: {  	v8 =	vld [tilespmem:s26+$0x250];
	v0 =	vadd.f32 v1, v0;
	v1 =	vmul.f32 v5, v2  }
0x9c: {  	v63 =	vld [tilespmem:s26+$0x8250]  }
0x9d: {  	v2 =	vmul.f32 v7, v3;
	v3 =	vld [tilespmem:s26+$0x8260];
	v1 =	vadd.f32 v1, v0  }
0x9e: {  	v0 =	vld [tilespmem:s26+$0x260]  }
0x9f: {  	v6 =	vmul.f32 v6, v4;
	v4 =	vld [tilespmem:s26+$0x8270];
	v5 =	vadd.f32 v2, v1  }
0xa0: {  	s25 =	simm.s32 $0x80;
	v1 =	vld [tilespmem:s26+$0x270]  }
0xa1: {  	v2 =	vld [tilespmem:s25+$0x200];
	s26 =	simm.s32 $0x400;
	v5 =	vadd.f32 v6, v5;
	v6 =	vmul.f32 v63, v8  }
.LBB2_6:
0xa2: {  	p0 =	sne.s32 s26, $0xFE00;
	v7 =	vld [tilespmem:s25+$0x8200]  }
0xa3: {  	v8 =	vld [tilespmem:s25+$0x210];
	v5 =	vadd.f32 v6, v5;
	v0 =	vmul.f32 v3, v0  }
0xa4: {  	v3 =	vld [tilespmem:s25+$0x8210]  }
0xa5: {  	v6 =	vld [tilespmem:s25+$0x220];
	v0 =	vadd.f32 v0, v5;
	v1 =	vmul.f32 v4, v1  }
0xa6: {  	v4 =	vld [tilespmem:s25+$0x8220]  }
0xa7: {  	v2 =	vmul.f32 v7, v2;
	v5 =	vld [tilespmem:s25+$0x230];
	v0 =	vadd.f32 v1, v0  }
0xa8: {  	v1 =	vld [tilespmem:s25+$0x8230]  }
0xa9: {  	v0 =	vadd.f32 v2, v0;
	v2 =	vmul.f32 v3, v8;
	v7 =	vld [tilespmem:s25+$0x240]  }
0xaa: {  	v8 =	vld [tilespmem:s25+$0x8240]  }
0xab: {  	v0 =	vadd.f32 v2, v0;
	v2 =	vmul.f32 v4, v6;
	v6 =	vld [tilespmem:s25+$0x250]  }
0xac: {  	v9 =	vld [tilespmem:s25+$0x8250]  }
.Ltmp2:
0xad: {  	v2 =	vadd.f32 v2, v0;
	v1 =	vmul.f32 v1, v5;
	v0 =	vld [tilespmem:s25+$0x260];
	(pc) =	sbr.rel @p0 .LBB2_6-.Ltmp2, $4  }
0xae: {  	v3 =	vld [tilespmem:s25+$0x8260]  }
0xaf: {  	v5 =	vadd.f32 v1, v2;
	v7 =	vmul.f32 v8, v7;
	v1 =	vld [tilespmem:s25+$0x270]  }
0xb0: {  	v4 =	vld [tilespmem:s25+$0x8270];
	s25 =	sshra.s32 s26, $0x2  }
0xb1: {  	s26 =	sadd.s32 $0x200, s26;
	v2 =	vld [tilespmem:s25+$0x200];
	v5 =	vadd.f32 v7, v5;
	v6 =	vmul.f32 v9, v6  }
0xb2: {  	v7 =	vld [tilespmem:s25+$0x8200]  }
0xb3: {  	v8 =	vld [tilespmem:s25+$0x210]  }
0xb4: {  	v9 =	vld [tilespmem:s25+$0x8210]  }
0xb5: {  	v10 =	vld [tilespmem:s25+$0x220]  }
0xb6: {  	v11 =	vld [tilespmem:s25+$0x8220]  }
0xb7: {  	v12 =	vld [tilespmem:s25+$0x230]  }
0xb8: {  	v13 =	vld [tilespmem:s25+$0x8230];
	v5 =	vadd.f32 v6, v5;
	v0 =	vmul.f32 v3, v0  }
0xb9: {  	v63 =	vld [tilespmem:s25+$0x8270]  }
0xba: {  	v3 =	vld [tilespmem:s25+$0x240];
	v0 =	vadd.f32 v0, v5;
	v1 =	vmul.f32 v4, v1  }
0xbb: {  	v6 =	vld [tilespmem:s25+$0x8240]  }
0xbc: {  	v4 =	vld [tilespmem:s25+$0x250];
	v2 =	vmul.f32 v7, v2;
	v0 =	vadd.f32 v1, v0  }
0xbd: {  	v5 =	vld [tilespmem:s25+$0x8250]  }
0xbe: {  	v1 =	vld [tilespmem:s25+$0x260];
	v0 =	vadd.f32 v2, v0;
	v2 =	vmul.f32 v9, v8  }
0xbf: {  	v7 =	vld [tilespmem:s25+$0x8260]  }
0xc0: {  	v8 =	vld [tilespmem:s25+$0x270];
	_ =	swait.ge [sflag:s20], $0x4000;
	v0 =	vadd.f32 v2, v0;
	v2 =	vmul.f32 v11, v10  }
0xc1: {  	[sflag:s20] =	ssyncset.done $0x0  }
0xc2: {  	[sflag:s20] =	ssyncadd.s32 $0xFFFFC000;
	v0 =	vadd.f32 v2, v0;
	v2 =	vmul.f32 v13, v12  }
0xc3: {  	_ =	swait.ge [sflag:s21], $0x4000  }
0xc4: {  	[sflag:s21] =	ssyncset.done $0x0;
	v0 =	vadd.f32 v2, v0;
	v2 =	vmul.f32 v6, v3  }
0xc5: {  	s26 =	simm.s32 $0x0;
	[sflag:s21] =	ssyncadd.s32 $0xFFFFC000  }
0xc6: {  	v3 =	vld [tilespmem:s26+$0x4200];
	v0 =	vadd.f32 v2, v0;
	v2 =	vmul.f32 v5, v4  }
0xc7: {  	v4 =	vld [tilespmem:s26+$0xC200]  }
0xc8: {  	v1 =	vmul.f32 v7, v1;
	v5 =	vld [tilespmem:s26+$0xC210];
	v0 =	vadd.f32 v2, v0  }
0xc9: {  	v2 =	vld [tilespmem:s26+$0x4210]  }
0xca: {  	v6 =	vld [tilespmem:s26+$0x4220];
	v0 =	vadd.f32 v1, v0;
	v1 =	vmul.f32 v63, v8  }
0xcb: {  	v7 =	vld [tilespmem:s26+$0xC220]  }
0xcc: {  	v0 =	vadd.f32 v1, v0;
	v1 =	vmul.f32 v4, v3;
	v3 =	vld [tilespmem:s26+$0x4230]  }
0xcd: {  	v4 =	vld [tilespmem:s26+$0xC230]  }
0xce: {  	v0 =	vadd.f32 v1, v0;
	v1 =	vmul.f32 v5, v2;
	v2 =	vld [tilespmem:s26+$0x4240]  }
0xcf: {  	v5 =	vld [tilespmem:s26+$0xC240]  }
0xd0: {  	v0 =	vadd.f32 v1, v0;
	v1 =	vmul.f32 v7, v6;
	v6 =	vld [tilespmem:s26+$0x4250]  }
0xd1: {  	v7 =	vld [tilespmem:s26+$0xC250]  }
0xd2: {  	v4 =	vmul.f32 v4, v3;
	v3 =	vld [tilespmem:s26+$0xC260];
	v1 =	vadd.f32 v1, v0  }
0xd3: {  	v0 =	vld [tilespmem:s26+$0x4260]  }
0xd4: {  	v5 =	vmul.f32 v5, v2;
	v8 =	vadd.f32 v4, v1;
	v1 =	vld [tilespmem:s26+$0x4270]  }
0xd5: {  	s25 =	simm.s32 $0x80;
	v4 =	vld [tilespmem:s26+$0xC270]  }
0xd6: {  	v2 =	vld [tilespmem:s25+$0x4200];
	s26 =	simm.s32 $0x400;
	v6 =	vmul.f32 v7, v6;
	v5 =	vadd.f32 v5, v8  }
.LBB2_8:
0xd7: {  	p0 =	sne.s32 s26, $0xFE00;
	v7 =	vld [tilespmem:s25+$0xC200]  }
0xd8: {  	v8 =	vld [tilespmem:s25+$0x4210];
	v5 =	vadd.f32 v6, v5;
	v0 =	vmul.f32 v3, v0  }
0xd9: {  	v3 =	vld [tilespmem:s25+$0xC210]  }
0xda: {  	v6 =	vld [tilespmem:s25+$0x4220];
	v0 =	vadd.f32 v0, v5;
	v1 =	vmul.f32 v4, v1  }
0xdb: {  	v4 =	vld [tilespmem:s25+$0xC220]  }
0xdc: {  	v2 =	vmul.f32 v7, v2;
	v5 =	vld [tilespmem:s25+$0x4230];
	v0 =	vadd.f32 v1, v0  }
0xdd: {  	v1 =	vld [tilespmem:s25+$0xC230]  }
0xde: {  	v0 =	vadd.f32 v2, v0;
	v2 =	vmul.f32 v3, v8;
	v7 =	vld [tilespmem:s25+$0x4240]  }
0xdf: {  	v8 =	vld [tilespmem:s25+$0xC240]  }
0xe0: {  	v0 =	vadd.f32 v2, v0;
	v2 =	vmul.f32 v4, v6;
	v6 =	vld [tilespmem:s25+$0x4250]  }
0xe1: {  	v9 =	vld [tilespmem:s25+$0xC250]  }
.Ltmp3:
0xe2: {  	v2 =	vadd.f32 v2, v0;
	v1 =	vmul.f32 v1, v5;
	v0 =	vld [tilespmem:s25+$0x4260];
	(pc) =	sbr.rel @p0 .LBB2_8-.Ltmp3, $4  }
0xe3: {  	v3 =	vld [tilespmem:s25+$0xC260]  }
0xe4: {  	v5 =	vadd.f32 v1, v2;
	v7 =	vmul.f32 v8, v7;
	v1 =	vld [tilespmem:s25+$0x4270]  }
0xe5: {  	v4 =	vld [tilespmem:s25+$0xC270];
	s25 =	sshra.s32 s26, $0x2  }
0xe6: {  	s26 =	sadd.s32 $0x200, s26;
	v2 =	vld [tilespmem:s25+$0x4200];
	v5 =	vadd.f32 v7, v5;
	v6 =	vmul.f32 v9, v6  }
0xe7: {  	v7 =	vld [tilespmem:s25+$0xC200]  }
0xe8: {  	v8 =	vld [tilespmem:s25+$0x4210];
	v5 =	vadd.f32 v6, v5;
	v0 =	vmul.f32 v3, v0  }
0xe9: {  	v45 =	vld [tilespmem:s25+$0xC210]  }
0xea: {  	v46 =	vld [tilespmem:s25+$0x4220];
	v0 =	vadd.f32 v0, v5;
	v1 =	vmul.f32 v4, v1  }
0xeb: {  	v47 =	vld [tilespmem:s25+$0xC220]  }
0xec: {  	v48 =	vld [tilespmem:s25+$0x4230];
	v2 =	vmul.f32 v7, v2;
	v0 =	vadd.f32 v1, v0  }
0xed: {  	v49 =	vld [tilespmem:s25+$0xC230]  }
0xee: {  	v51 =	vld [tilespmem:s25+$0x4240];
	v50 =	vmul.f32 v45, v8;
	v0 =	vadd.f32 v2, v0  }
0xef: {  	v52 =	vld [tilespmem:s25+$0xC240]  }
0xf0: {  	v54 =	vld [tilespmem:s25+$0x4250];
	v53 =	vmul.f32 v47, v46;
	v0 =	vadd.f32 v50, v0  }
0xf1: {  	v55 =	vld [tilespmem:s25+$0xC250]  }
0xf2: {  	v56 =	vld [tilespmem:s25+$0x4260];
	v1 =	vmul.f32 v49, v48;
	v0 =	vadd.f32 v53, v0  }
0xf3: {  	v57 =	vld [tilespmem:s25+$0xC260]  }
0xf4: {  	v59 =	vld [tilespmem:s25+$0x4270];
	v58 =	vmul.f32 v52, v51;
	v0 =	vadd.f32 v1, v0  }
0xf5: {  	v60 =	vld [tilespmem:s25+$0xC270]  }
0xf6: {  	v61 =	vmul.f32 v55, v54;
	v0 =	vadd.f32 v58, v0;
	_ =	sdelay $0x1  }
0xf7: {  	v62 =	vmul.f32 v57, v56;
	v0 =	vadd.f32 v61, v0;
	_ =	sdelay $0x1  }
0xf8: {  	v63 =	vmul.f32 v60, v59;
	v0 =	vadd.f32 v62, v0;
	_ =	sdelay $0x1  }
0xf9: {  	s24 =	sadd.s32 $0x1, s24;
	v0 =	vadd.f32 v63, v0  }
0xfa: {  	p0 =	sne.s32 s24, s10  }
.Ltmp4:
0xfb: {  	[tilespmem:$0x10200] =	vst v0;
	(pc) =	sbr.rel @p0 .LBB2_1-.Ltmp4, $4  }
0xfc: {  	[hbm4b:s9+s2] =	stream.linear.scatter [tilespmem:s23], [sflag:$0x5], $0x80, $0x38;
	[tilespmem:$0x10280] =	vst v63  }
0xfd: {  	_ =	swait.ge [sflag:s11], $0x80  }
0xfe: {  	[sflag:s11] =	ssyncset.done $0x0  }
0xff: {  	[sflag:s11] =	ssyncadd.s32 $0xFFFFFF80  }
0x100: {  	_ =	sfence.sel $0x180000  }
0x101: {  	[bflag:$0x0] =	sbarrier.arrive $0xFFFF  }
0x102: {  	p0 =	sne.s32 s1, $0x0;
	_ =	strace $0x90000047  }
0x103: {  	s0 =	sadd.s32 @!p0 $0x100000, s0;
	[bflag:$0x2] =	sbarrier.arrive $0xFFFF  }
0x104: {  	[sflag:s0] =	ssyncadd.tile.s32 @!p0 $0x1;
	_ =	shalt  }
.Lfunc_end2:
_tile_overlayer_lowered:
.L_overlay_start_2:
0x105: {  	(tag) =	ssettag $0x2  }
0x106: {  	s0 =	rddreg [dreg:$0x0];
	s2 =	stileid.u32  }
0x107: {  	s1 =	rddreg [dreg:$0x1];
	p0 =	sne.s32 s2, $0x0  }
0x108: {  	s3 =	rddreg [dreg:$0x2];
	[bflag:$0x3] =	sbarrier.arrive $0xFFFF;
	s2 =	simm.s32 @!p0 $0x1C05  }
0x109: {  	[timem:s3], [sflag:s2] =	dma.local @!p0 [hbm:s0], s1  }
0x10a: {  	s0 =	simm.s32 @!p0 $0x5  }
0x10b: {  	_ =	swait.ge @!p0 [sflag:s0], s1  }
0x10c: {  	s1 =	ssub.s32 @!p0 $0x0, s1;
	[sflag:s0] =	ssyncset.done @!p0 $0x0  }
0x10d: {  	[sflag:s0] =	ssyncadd.s32 @!p0 s1  }
0x10e: {  	[bflag:$0x3] =	sbarrier.arrive $0xFFFF  }
0x10f: {  	_ =	shalt  }

</sc_bundles>
